<compile_context>
chip_gen: v7x
topology: tpu7x:2x2x1
jax: 0.10.2.dev20260603
libtpu: 0.0.44.dev20260713+nightly
codegen_flags: <defaults>
</compile_context>

<pallas_src>
import jax
import jax.numpy as jnp
from jax import lax
from jax.experimental import pallas as pl
from jax.experimental.pallas import tpu as pltpu
from jax.experimental.pallas import tpu_sc as plsc

NC = 2
NS = 16
NW = NC * NS
L = 16


def _make_body(b, nf, nb_cat, rank):
    tabw = nb_cat * rank
    half = b // NC
    cw = half // NS
    ng = cw // L
    nu = nf * NS
    upt = nu // NS
    soff = nf * nb_cat

    def _body(xy_hbm, mf_hbm, out_hbm,
              xbuf0_ref, xbuf1_ref, tab_ref, sall_ref, part0_ref, part1_ref,
              red_ref, accf_ref, shstage_ref, sem0, sem1, sem2):
        cid = lax.axis_index("c")
        sid = lax.axis_index("s")
        scbase = cid * half
        u0 = sid * upt

        cps = pltpu.async_copy(mf_hbm.at[pl.ds(0, soff)], sall_ref, sem1)
        f_0 = u0 // NS
        c_0 = u0 % NS
        pltpu.async_copy(
            xy_hbm.at[pl.ds(f_0 * b + scbase + c_0 * cw, cw)], xbuf0_ref, sem0)
        cps.wait()

        iota = lax.broadcasted_iota(jnp.int32, (L,), 0)

        def compute_unit(f, xbuf, part_ref):
            fb = f * nb_cat

            @plsc.parallel_loop(0, ng, unroll=2)
            def group_body(g):
                w = xbuf[pl.ds(g * L, L)]
                xv = w & 0xFFFF
                yv = lax.shift_right_logical(w, 16)
                s2 = plsc.load_gather(sall_ref, [xv + fb])
                xb = xv * rank
                yb = yv * rank
                na = 4
                accs = [jnp.zeros((L,), jnp.float32) for _ in range(na)]
                accs[na - 1] = jnp.where(
                    xv == yv, s2, jnp.zeros((L,), jnp.float32))
                rot = iota
                for r in range(rank):
                    xa = plsc.load_gather(tab_ref, [xb + rot])
                    ya = plsc.load_gather(tab_ref, [yb + rot])
                    accs[r % na] = accs[r % na] + xa * ya
                    if r + 1 < rank:
                        rot = (rot + 1) & (rank - 1)
                acc = (accs[0] + accs[1]) + (accs[2] + accs[3])
                part_ref[pl.ds(g * L, L)] = acc

        def unit_body(k, _):
            u = u0 + k
            f = u // NS
            c = u % NS

            @pl.when(jnp.logical_or(k == 0, c == 0))
            def _():
                pltpu.sync_copy(mf_hbm.at[pl.ds(soff + f * tabw, tabw)],
                                tab_ref)

            un = jnp.minimum(u + 1, nu - 1)
            nxt = (un // NS) * b + scbase + (un % NS) * cw

            @pl.when(k % 2 == 0)
            def _():
                pltpu.async_copy(xy_hbm.at[pl.ds(nxt, cw)], xbuf1_ref, sem1)
                pltpu.make_async_copy(xy_hbm.at[pl.ds(0, cw)],
                                      xbuf0_ref, sem0).wait()
                @pl.when(k >= 2)
                def _():
                    pltpu.make_async_copy(part0_ref, shstage_ref.at[0, 0],
                                          sem2).wait()
                compute_unit(f, xbuf0_ref, part0_ref)
                pltpu.async_copy(part0_ref, shstage_ref.at[c, f], sem2)

            @pl.when(k % 2 == 1)
            def _():
                pltpu.async_copy(xy_hbm.at[pl.ds(nxt, cw)], xbuf0_ref, sem0)
                pltpu.make_async_copy(xy_hbm.at[pl.ds(0, cw)],
                                      xbuf1_ref, sem1).wait()
                @pl.when(k >= 2)
                def _():
                    pltpu.make_async_copy(part1_ref, shstage_ref.at[0, 0],
                                          sem2).wait()
                compute_unit(f, xbuf1_ref, part1_ref)
                pltpu.async_copy(part1_ref, shstage_ref.at[c, f], sem2)
            return 0
        lax.fori_loop(0, upt, unit_body, 0)

        pltpu.make_async_copy(xy_hbm.at[pl.ds(0, cw)], xbuf0_ref, sem0).wait()
        pltpu.make_async_copy(part0_ref, shstage_ref.at[0, 0], sem2).wait()
        pltpu.make_async_copy(part1_ref, shstage_ref.at[0, 0], sem2).wait()

        plsc.subcore_barrier()

        pltpu.sync_copy(shstage_ref.at[sid], red_ref)

        def red_body(g, _):
            sl = pl.ds(g * L, L)
            acc0 = red_ref[0, sl]
            acc1 = red_ref[1, sl]
            acc2 = red_ref[2, sl]
            acc3 = red_ref[3, sl]
            for f in range(4, nf):
                acc = red_ref[f, sl]
                if f % 4 == 0:
                    acc0 = acc0 + acc
                elif f % 4 == 1:
                    acc1 = acc1 + acc
                elif f % 4 == 2:
                    acc2 = acc2 + acc
                else:
                    acc3 = acc3 + acc
            accf_ref[sl] = (acc0 + acc1) + (acc2 + acc3)
            return 0
        lax.fori_loop(0, ng, red_body, 0)

        pltpu.sync_copy(accf_ref, out_hbm.at[pl.ds(scbase + sid * cw, cw)])

    return _body


def kernel(x, y, stds, covar_factors):
    b, nf = x.shape
    nb_cat, rank = covar_factors.shape[1], covar_factors.shape[2]
    xy = (x + (y << 16)).T
    eps = (stds[0, 0] * 0.0).astype(jnp.float32)
    mi = xy.reshape(-1)
    mf = jnp.concatenate([(stds * stds).reshape(-1),
                          (covar_factors + eps).reshape(-1)])
    body = _make_body(b, nf, nb_cat, rank)
    cw = b // NW
    mesh = plsc.VectorSubcoreMesh(
        core_axis_name="c", subcore_axis_name="s", num_cores=NC, num_subcores=NS)
    run = pl.kernel(
        body,
        out_type=jax.ShapeDtypeStruct((b,), jnp.float32),
        mesh=mesh,
        scratch_types=[
            pltpu.VMEM((cw,), jnp.int32),
            pltpu.VMEM((cw,), jnp.int32),
            pltpu.VMEM((nb_cat * rank,), jnp.float32),
            pltpu.VMEM((nf * nb_cat,), jnp.float32),
            pltpu.VMEM((cw,), jnp.float32),
            pltpu.VMEM((cw,), jnp.float32),
            pltpu.VMEM((nf, cw), jnp.float32),
            pltpu.VMEM((cw,), jnp.float32),
            pltpu.VMEM_SHARED((NS, nf, cw), jnp.float32),
            pltpu.SemaphoreType.DMA,
            pltpu.SemaphoreType.DMA,
            pltpu.SemaphoreType.DMA,
        ],
        compiler_params=pltpu.CompilerParams(
            needs_layout_passes=False, use_tc_tiling_on_sc=False),
    )
    return run(mi, mf)

# --- scband reference (transcript-rebuilt; emitter-appended) ---
"""Pipeline reference for scband-index-kernel-32238024524411 (READ-ONLY COPY).

The authoritative reference and input builder live on the scoring server;
editing this copy changes nothing except your own understanding.
"""

import jax, jax.numpy as jnp
import numpy as np

NB_CAT = 1000
RANK = 16
NF = 26
B = 16384
FRAC = 0.9


def setup_inputs(seed: int = 0) -> dict:
    key = jax.random.key(seed)
    kx, ky = jax.random.split(key)
    x = jax.random.randint(kx, (B, NF), 0, NB_CAT, dtype=jnp.int32)
    y = jax.random.randint(ky, (B, NF), 0, NB_CAT, dtype=jnp.int32)
    # learned parameters, initialized exactly as in IndexKernelSingle.__init__
    stds = FRAC * jnp.ones((NF, NB_CAT), dtype=jnp.float32)
    covar_factors = ((1.0 - FRAC) / np.sqrt(RANK)) * jnp.ones((NF, NB_CAT, RANK), dtype=jnp.float32)
    return {"x": x, "y": y, "stds": stds, "covar_factors": covar_factors}


def reference(x, y, stds, covar_factors):
    # per-field covariance: cov_f = F_f @ F_f.T  (F_f: [NB_CAT, RANK])
    covs = jnp.einsum('fnr,fmr->fnm', covar_factors, covar_factors)  # [NF, NB_CAT, NB_CAT]
    d = jnp.arange(NB_CAT)
    # covariance.diagonal().add_(std * std)
    covs = covs.at[:, d, d].add(stds * stds)
    f = jnp.arange(NF)
    # gather covariance[x_i, y_i] per field, then reduce (should_reduce=True)
    vals = covs[f[None, :], x, y]  # [B, NF]
    return jnp.sum(vals, axis=-1)  # [B]

if __name__ == "__main__":
    import jax
    _d = setup_inputs()
    print(jax.jit(kernel)(*tuple(_d.values())))

</pallas_src>

<mosaic_0001>
#map = affine_map<(d0, d1) -> (0)>
module attributes {stable_mosaic.version = 14 : i64} {
  func.func @_body(%arg0: i32, %arg1: i32, %arg2: memref<425984xi32, #tpu.memory_space<hbm>>, %arg3: memref<442000xf32, #tpu.memory_space<hbm>>, %arg4: memref<16384xf32, #tpu.memory_space<hbm>>, %arg5: memref<512xi32, #tpu.memory_space<vmem>>, %arg6: memref<512xi32, #tpu.memory_space<vmem>>, %arg7: memref<16000xf32, #tpu.memory_space<vmem>>, %arg8: memref<26000xf32, #tpu.memory_space<vmem>>, %arg9: memref<512xf32, #tpu.memory_space<vmem>>, %arg10: memref<512xf32, #tpu.memory_space<vmem>>, %arg11: memref<26x512xf32, #tpu.memory_space<vmem>>, %arg12: memref<512xf32, #tpu.memory_space<vmem>>, %arg13: memref<16x26x512xf32, #tpu.memory_space<vmem_shared>>, %arg14: memref<!tpu.dma_semaphore, #tpu.memory_space<semaphore_mem>>, %arg15: memref<!tpu.dma_semaphore, #tpu.memory_space<semaphore_mem>>, %arg16: memref<!tpu.dma_semaphore, #tpu.memory_space<semaphore_mem>>) attributes {dimension_semantics = [#tpu.dimension_semantics<core_parallel>, #tpu.dimension_semantics<subcore_parallel>], iteration_bounds = array<i64: 2, 16>, scalar_prefetch = 0 : i64, scratch_operands = 12 : i64, tpu.core_type = #tpu.core_type<sc_vector_subcore>, window_params = [{transform_indices = #map}, {transform_indices = #map}, {transform_indices = #map}]} {
    %mul3A = arith.constant 8192 : i32
    %mul3A_0 = arith.muli %arg0, %mul3A : i32
    %mul3A_1 = arith.constant 26 : i32
    %mul3A_2 = arith.muli %arg1, %mul3A_1 : i32
    %dma_start3A = arith.constant 0 : i32
    %dma_start3A_3 = tpu.memref_slice %arg3[%dma_start3A] : memref<442000xf32, #tpu.memory_space<hbm>> -> memref<26000xf32, #tpu.memory_space<hbm>>
    %dma_start3A_4 = arith.constant 0 : i32
    %dma_start3A_5 = tpu.memref_slice %arg3[%dma_start3A_4] : memref<442000xf32, #tpu.memory_space<hbm>> -> memref<26000xf32, #tpu.memory_space<hbm>>
    tpu.enqueue_dma source(%dma_start3A_5 : memref<26000xf32, #tpu.memory_space<hbm>>) target(%arg8 : memref<26000xf32, #tpu.memory_space<vmem>>) target_semaphore(%arg15 : memref<!tpu.dma_semaphore, #tpu.memory_space<semaphore_mem>>)
    %jit3A = arith.constant 16 : i32
    %div3A = arith.divsi %mul3A_2, %jit3A : i32
    %sign3A = arith.constant 0 : i32
    %sign3A_6 = arith.cmpi sgt, %mul3A_2, %sign3A : i32
    %sign3A_7 = arith.extui %sign3A_6 : i1 to i32
    %sign3A_8 = arith.constant 0 : i32
    %sign3A_9 = arith.cmpi slt, %mul3A_2, %sign3A_8 : i32
    %sign3A_10 = arith.extui %sign3A_9 : i1 to i32
    %sign3A_11 = arith.subi %sign3A_7, %sign3A_10 : i32
    %sign3A_12 = arith.constant 0 : i32
    %sign3A_13 = arith.cmpi sgt, %jit3A, %sign3A_12 : i32
    %sign3A_14 = arith.extui %sign3A_13 : i1 to i32
    %sign3A_15 = arith.constant 0 : i32
    %sign3A_16 = arith.cmpi slt, %jit3A, %sign3A_15 : i32
    %sign3A_17 = arith.extui %sign3A_16 : i1 to i32
    %sign3A_18 = arith.subi %sign3A_14, %sign3A_17 : i32
    %ne3A = arith.cmpi ne, %sign3A_11, %sign3A_18 : i32
    %rem3A = arith.remsi %mul3A_2, %jit3A : i32
    %ne3A_19 = arith.constant 0 : i32
    %ne3A_20 = arith.cmpi ne, %rem3A, %ne3A_19 : i32
    %and3A = arith.andi %ne3A, %ne3A_20 : i1
    %sub3A = arith.constant 1 : i32
    %sub3A_21 = arith.subi %div3A, %sub3A : i32
    %select_n3A = arith.select %and3A, %sub3A_21, %div3A : i32
    %jit3A_22 = arith.constant 16 : i32
    %eq3A = arith.constant 0 : i32
    %eq3A_23 = arith.cmpi eq, %jit3A_22, %eq3A : i32
    %jit3A_24 = arith.constant 1 : i32
    %select_n3A_25 = arith.select %eq3A_23, %jit3A_24, %jit3A_22 : i32
    %rem3A_26 = arith.remsi %mul3A_2, %select_n3A_25 : i32
    %ne3A_27 = arith.constant 0 : i32
    %ne3A_28 = arith.cmpi ne, %rem3A_26, %ne3A_27 : i32
    %lt3A = arith.constant 0 : i32
    %lt3A_29 = arith.cmpi slt, %rem3A_26, %lt3A : i32
    %lt3A_30 = arith.constant 0 : i32
    %lt3A_31 = arith.cmpi slt, %select_n3A_25, %lt3A_30 : i32
    %ne3A_32 = arith.xori %lt3A_29, %lt3A_31 : i1
    %and3A_33 = arith.andi %ne3A_32, %ne3A_28 : i1
    %add3A = arith.addi %rem3A_26, %select_n3A_25 : i32
    %select_n3A_34 = arith.select %and3A_33, %add3A, %rem3A_26 : i32
    %mul3A_35 = arith.constant 16384 : i32
    %mul3A_36 = arith.muli %select_n3A, %mul3A_35 : i32
    %add3A_37 = arith.addi %mul3A_36, %mul3A_0 : i32
    %mul3A_38 = arith.constant 512 : i32
    %mul3A_39 = arith.muli %select_n3A_34, %mul3A_38 : i32
    %add3A_40 = arith.addi %add3A_37, %mul3A_39 : i32
    %dma_start3A_41 = tpu.memref_slice %arg2[%add3A_40] : memref<425984xi32, #tpu.memory_space<hbm>> -> memref<512xi32, #tpu.memory_space<hbm>>
    %dma_start3A_42 = tpu.memref_slice %arg2[%add3A_40] : memref<425984xi32, #tpu.memory_space<hbm>> -> memref<512xi32, #tpu.memory_space<hbm>>
    tpu.enqueue_dma source(%dma_start3A_42 : memref<512xi32, #tpu.memory_space<hbm>>) target(%arg5 : memref<512xi32, #tpu.memory_space<vmem>>) target_semaphore(%arg14 : memref<!tpu.dma_semaphore, #tpu.memory_space<semaphore_mem>>)
    %dma_wait3A = arith.constant 0 : i32
    %dma_wait3A_43 = tpu.memref_slice %arg3[%dma_wait3A] : memref<442000xf32, #tpu.memory_space<hbm>> -> memref<26000xf32, #tpu.memory_space<hbm>>
    %dma_wait3A_44 = arith.constant 0 : i32
    %dma_wait3A_45 = tpu.memref_slice %arg3[%dma_wait3A_44] : memref<442000xf32, #tpu.memory_space<hbm>> -> memref<26000xf32, #tpu.memory_space<hbm>>
    tpu.wait_dma2 semaphore(%arg15 : memref<!tpu.dma_semaphore, #tpu.memory_space<semaphore_mem>>) src(%dma_wait3A_45 : memref<26000xf32, #tpu.memory_space<hbm>>) dst(%arg8 : memref<26000xf32, #tpu.memory_space<vmem>>)
    %iota3A = tpu.iota {dimensions = array<i32: 0>} : vector<16xi32>
    %scan3A = arith.constant 0 : i32
    %scan3A_46 = arith.constant 0 : i32
    %scan3A_47 = arith.constant 26 : i32
    %scan3A_48 = arith.addi %scan3A_46, %scan3A_47 : i32
    %scan3A_49 = arith.constant 1 : i32
    %scan3A_50 = scf.for %scan3A_82 = %scan3A_46 to %scan3A_48 step %scan3A_49 iter_args(%scan3A_83 = %scan3A) -> (i32)  : i32 {
      %add3A_84 = arith.addi %mul3A_2, %scan3A_82 : i32
      %jit3A_85 = arith.constant 16 : i32
      %div3A_86 = arith.divsi %add3A_84, %jit3A_85 : i32
      %sign3A_87 = arith.constant 0 : i32
      %sign3A_88 = arith.cmpi sgt, %add3A_84, %sign3A_87 : i32
      %sign3A_89 = arith.extui %sign3A_88 : i1 to i32
      %sign3A_90 = arith.constant 0 : i32
      %sign3A_91 = arith.cmpi slt, %add3A_84, %sign3A_90 : i32
      %sign3A_92 = arith.extui %sign3A_91 : i1 to i32
      %sign3A_93 = arith.subi %sign3A_89, %sign3A_92 : i32
      %sign3A_94 = arith.constant 0 : i32
      %sign3A_95 = arith.cmpi sgt, %jit3A_85, %sign3A_94 : i32
      %sign3A_96 = arith.extui %sign3A_95 : i1 to i32
      %sign3A_97 = arith.constant 0 : i32
      %sign3A_98 = arith.cmpi slt, %jit3A_85, %sign3A_97 : i32
      %sign3A_99 = arith.extui %sign3A_98 : i1 to i32
      %sign3A_100 = arith.subi %sign3A_96, %sign3A_99 : i32
      %ne3A_101 = arith.cmpi ne, %sign3A_93, %sign3A_100 : i32
      %rem3A_102 = arith.remsi %add3A_84, %jit3A_85 : i32
      %ne3A_103 = arith.constant 0 : i32
      %ne3A_104 = arith.cmpi ne, %rem3A_102, %ne3A_103 : i32
      %and3A_105 = arith.andi %ne3A_101, %ne3A_104 : i1
      %sub3A_106 = arith.constant 1 : i32
      %sub3A_107 = arith.subi %div3A_86, %sub3A_106 : i32
      %select_n3A_108 = arith.select %and3A_105, %sub3A_107, %div3A_86 : i32
      %jit3A_109 = arith.constant 16 : i32
      %eq3A_110 = arith.constant 0 : i32
      %eq3A_111 = arith.cmpi eq, %jit3A_109, %eq3A_110 : i32
      %jit3A_112 = arith.constant 1 : i32
      %select_n3A_113 = arith.select %eq3A_111, %jit3A_112, %jit3A_109 : i32
      %rem3A_114 = arith.remsi %add3A_84, %select_n3A_113 : i32
      %ne3A_115 = arith.constant 0 : i32
      %ne3A_116 = arith.cmpi ne, %rem3A_114, %ne3A_115 : i32
      %lt3A_117 = arith.constant 0 : i32
      %lt3A_118 = arith.cmpi slt, %rem3A_114, %lt3A_117 : i32
      %lt3A_119 = arith.constant 0 : i32
      %lt3A_120 = arith.cmpi slt, %select_n3A_113, %lt3A_119 : i32
      %ne3A_121 = arith.xori %lt3A_118, %lt3A_120 : i1
      %and3A_122 = arith.andi %ne3A_121, %ne3A_116 : i1
      %add3A_123 = arith.addi %rem3A_114, %select_n3A_113 : i32
      %select_n3A_124 = arith.select %and3A_122, %add3A_123, %rem3A_114 : i32
      %eq3A_125 = arith.constant 0 : i32
      %eq3A_126 = arith.cmpi eq, %scan3A_82, %eq3A_125 : i32
      %eq3A_127 = arith.constant 0 : i32
      %eq3A_128 = arith.cmpi eq, %select_n3A_124, %eq3A_127 : i32
      %or3A = arith.ori %eq3A_126, %eq3A_128 : i1
      %convert_element_type3A = arith.extui %or3A : i1 to i32
      %cond3A = arith.constant 0 : i32
      %cond3A_129 = arith.cmpi ne, %convert_element_type3A, %cond3A : i32
      scf.if %cond3A_129 {
        %mul3A_222 = arith.constant 16000 : i32
        %mul3A_223 = arith.muli %select_n3A_108, %mul3A_222 : i32
        %add3A_224 = arith.constant 26000 : i32
        %add3A_225 = arith.addi %add3A_224, %mul3A_223 : i32
        "tpu.region"() ({
          %run_scoped3A = tpu.sem_alloc : memref<!tpu.dma_semaphore, #tpu.memory_space<semaphore_mem>>
          %dma_start3A_226 = tpu.memref_slice %arg3[%add3A_225] : memref<442000xf32, #tpu.memory_space<hbm>> -> memref<16000xf32, #tpu.memory_space<hbm>>
          %dma_start3A_227 = tpu.memref_slice %arg3[%add3A_225] : memref<442000xf32, #tpu.memory_space<hbm>> -> memref<16000xf32, #tpu.memory_space<hbm>>
          tpu.enqueue_dma source(%dma_start3A_227 : memref<16000xf32, #tpu.memory_space<hbm>>) target(%arg7 : memref<16000xf32, #tpu.memory_space<vmem>>) target_semaphore(%run_scoped3A : memref<!tpu.dma_semaphore, #tpu.memory_space<semaphore_mem>>)
          %dma_wait3A_228 = tpu.memref_slice %arg3[%add3A_225] : memref<442000xf32, #tpu.memory_space<hbm>> -> memref<16000xf32, #tpu.memory_space<hbm>>
          %dma_wait3A_229 = tpu.memref_slice %arg3[%add3A_225] : memref<442000xf32, #tpu.memory_space<hbm>> -> memref<16000xf32, #tpu.memory_space<hbm>>
          tpu.wait_dma2 semaphore(%run_scoped3A : memref<!tpu.dma_semaphore, #tpu.memory_space<semaphore_mem>>) src(%dma_wait3A_229 : memref<16000xf32, #tpu.memory_space<hbm>>) dst(%arg7 : memref<16000xf32, #tpu.memory_space<vmem>>)
          tpu.yield
        }) : () -> ()
      } else {
      }
      %add3A_130 = arith.constant 1 : i32
      %add3A_131 = arith.addi %add3A_84, %add3A_130 : i32
      %min3A = arith.constant 415 : i32
      %min3A_132 = arith.minsi %add3A_131, %min3A : i32
      %jit3A_133 = arith.constant 16 : i32
      %div3A_134 = arith.divsi %min3A_132, %jit3A_133 : i32
      %sign3A_135 = arith.constant 0 : i32
      %sign3A_136 = arith.cmpi sgt, %min3A_132, %sign3A_135 : i32
      %sign3A_137 = arith.extui %sign3A_136 : i1 to i32
      %sign3A_138 = arith.constant 0 : i32
      %sign3A_139 = arith.cmpi slt, %min3A_132, %sign3A_138 : i32
      %sign3A_140 = arith.extui %sign3A_139 : i1 to i32
      %sign3A_141 = arith.subi %sign3A_137, %sign3A_140 : i32
      %sign3A_142 = arith.constant 0 : i32
      %sign3A_143 = arith.cmpi sgt, %jit3A_133, %sign3A_142 : i32
      %sign3A_144 = arith.extui %sign3A_143 : i1 to i32
      %sign3A_145 = arith.constant 0 : i32
      %sign3A_146 = arith.cmpi slt, %jit3A_133, %sign3A_145 : i32
      %sign3A_147 = arith.extui %sign3A_146 : i1 to i32
      %sign3A_148 = arith.subi %sign3A_144, %sign3A_147 : i32
      %ne3A_149 = arith.cmpi ne, %sign3A_141, %sign3A_148 : i32
      %rem3A_150 = arith.remsi %min3A_132, %jit3A_133 : i32
      %ne3A_151 = arith.constant 0 : i32
      %ne3A_152 = arith.cmpi ne, %rem3A_150, %ne3A_151 : i32
      %and3A_153 = arith.andi %ne3A_149, %ne3A_152 : i1
      %sub3A_154 = arith.constant 1 : i32
      %sub3A_155 = arith.subi %div3A_134, %sub3A_154 : i32
      %select_n3A_156 = arith.select %and3A_153, %sub3A_155, %div3A_134 : i32
      %mul3A_157 = arith.constant 16384 : i32
      %mul3A_158 = arith.muli %select_n3A_156, %mul3A_157 : i32
      %add3A_159 = arith.addi %mul3A_158, %mul3A_0 : i32
      %jit3A_160 = arith.constant 16 : i32
      %eq3A_161 = arith.constant 0 : i32
      %eq3A_162 = arith.cmpi eq, %jit3A_160, %eq3A_161 : i32
      %jit3A_163 = arith.constant 1 : i32
      %select_n3A_164 = arith.select %eq3A_162, %jit3A_163, %jit3A_160 : i32
      %rem3A_165 = arith.remsi %min3A_132, %select_n3A_164 : i32
      %ne3A_166 = arith.constant 0 : i32
      %ne3A_167 = arith.cmpi ne, %rem3A_165, %ne3A_166 : i32
      %lt3A_168 = arith.constant 0 : i32
      %lt3A_169 = arith.cmpi slt, %rem3A_165, %lt3A_168 : i32
      %lt3A_170 = arith.constant 0 : i32
      %lt3A_171 = arith.cmpi slt, %select_n3A_164, %lt3A_170 : i32
      %ne3A_172 = arith.xori %lt3A_169, %lt3A_171 : i1
      %and3A_173 = arith.andi %ne3A_172, %ne3A_167 : i1
      %add3A_174 = arith.addi %rem3A_165, %select_n3A_164 : i32
      %select_n3A_175 = arith.select %and3A_173, %add3A_174, %rem3A_165 : i32
      %mul3A_176 = arith.constant 512 : i32
      %mul3A_177 = arith.muli %select_n3A_175, %mul3A_176 : i32
      %add3A_178 = arith.addi %add3A_159, %mul3A_177 : i32
      %jit3A_179 = arith.constant 2 : i32
      %eq3A_180 = arith.constant 0 : i32
      %eq3A_181 = arith.cmpi eq, %jit3A_179, %eq3A_180 : i32
      %jit3A_182 = arith.constant 1 : i32
      %select_n3A_183 = arith.select %eq3A_181, %jit3A_182, %jit3A_179 : i32
      %rem3A_184 = arith.remsi %scan3A_82, %select_n3A_183 : i32
      %ne3A_185 = arith.constant 0 : i32
      %ne3A_186 = arith.cmpi ne, %rem3A_184, %ne3A_185 : i32
      %lt3A_187 = arith.constant 0 : i32
      %lt3A_188 = arith.cmpi slt, %rem3A_184, %lt3A_187 : i32
      %lt3A_189 = arith.constant 0 : i32
      %lt3A_190 = arith.cmpi slt, %select_n3A_183, %lt3A_189 : i32
      %ne3A_191 = arith.xori %lt3A_188, %lt3A_190 : i1
      %and3A_192 = arith.andi %ne3A_191, %ne3A_186 : i1
      %add3A_193 = arith.addi %rem3A_184, %select_n3A_183 : i32
      %select_n3A_194 = arith.select %and3A_192, %add3A_193, %rem3A_184 : i32
      %eq3A_195 = arith.constant 0 : i32
      %eq3A_196 = arith.cmpi eq, %select_n3A_194, %eq3A_195 : i32
      %convert_element_type3A_197 = arith.extui %eq3A_196 : i1 to i32
      %cond3A_198 = arith.constant 0 : i32
      %cond3A_199 = arith.cmpi ne, %convert_element_type3A_197, %cond3A_198 : i32
      scf.if %cond3A_199 {
        %dma_start3A_222 = tpu.memref_slice %arg2[%add3A_178] : memref<425984xi32, #tpu.memory_space<hbm>> -> memref<512xi32, #tpu.memory_space<hbm>>
        %dma_start3A_223 = tpu.memref_slice %arg2[%add3A_178] : memref<425984xi32, #tpu.memory_space<hbm>> -> memref<512xi32, #tpu.memory_space<hbm>>
        tpu.enqueue_dma source(%dma_start3A_223 : memref<512xi32, #tpu.memory_space<hbm>>) target(%arg6 : memref<512xi32, #tpu.memory_space<vmem>>) target_semaphore(%arg15 : memref<!tpu.dma_semaphore, #tpu.memory_space<semaphore_mem>>)
        %dma_wait3A_224 = arith.constant 0 : i32
        %dma_wait3A_225 = tpu.memref_slice %arg2[%dma_wait3A_224] : memref<425984xi32, #tpu.memory_space<hbm>> -> memref<512xi32, #tpu.memory_space<hbm>>
        %dma_wait3A_226 = arith.constant 0 : i32
        %dma_wait3A_227 = tpu.memref_slice %arg2[%dma_wait3A_226] : memref<425984xi32, #tpu.memory_space<hbm>> -> memref<512xi32, #tpu.memory_space<hbm>>
        tpu.wait_dma2 semaphore(%arg14 : memref<!tpu.dma_semaphore, #tpu.memory_space<semaphore_mem>>) src(%dma_wait3A_227 : memref<512xi32, #tpu.memory_space<hbm>>) dst(%arg5 : memref<512xi32, #tpu.memory_space<vmem>>)
        %ge3A = arith.constant 2 : i32
        %ge3A_228 = arith.cmpi sge, %scan3A_82, %ge3A : i32
        %convert_element_type3A_229 = arith.extui %ge3A_228 : i1 to i32
        %cond3A_230 = arith.constant 0 : i32
        %cond3A_231 = arith.cmpi ne, %convert_element_type3A_229, %cond3A_230 : i32
        scf.if %cond3A_231 {
          %dma_wait3A_242 = arith.constant 0 : i32
          %dma_wait3A_243 = arith.constant 0 : i32
          %dma_wait3A_244 = arith.constant 0 : i32
          %dma_wait3A_245 = tpu.memref_slice %arg13[%dma_wait3A_242, %dma_wait3A_243, %dma_wait3A_244] : memref<16x26x512xf32, #tpu.memory_space<vmem_shared>> -> memref<1x1x512xf32, #tpu.memory_space<vmem_shared>>
          %dma_wait3A_246 = tpu.memref_squeeze %dma_wait3A_245 : memref<1x1x512xf32, #tpu.memory_space<vmem_shared>> -> memref<512xf32, #tpu.memory_space<vmem_shared>>
          %dma_wait3A_247 = arith.constant 0 : i32
          %dma_wait3A_248 = tpu.memref_slice %arg13[%dma_wait3A_242, %dma_wait3A_243, %dma_wait3A_247] : memref<16x26x512xf32, #tpu.memory_space<vmem_shared>> -> memref<1x1x512xf32, #tpu.memory_space<vmem_shared>>
          %dma_wait3A_249 = tpu.memref_squeeze %dma_wait3A_248 : memref<1x1x512xf32, #tpu.memory_space<vmem_shared>> -> memref<512xf32, #tpu.memory_space<vmem_shared>>
          tpu.wait_dma2 semaphore(%arg16 : memref<!tpu.dma_semaphore, #tpu.memory_space<semaphore_mem>>) src(%arg9 : memref<512xf32, #tpu.memory_space<vmem>>) dst(%dma_wait3A_249 : memref<512xf32, #tpu.memory_space<vmem_shared>>)
        } else {
        }
        %mul3A_232 = arith.constant 1000 : i32
        %mul3A_233 = arith.muli %select_n3A_108, %mul3A_232 : i32
        %parallel_loop3A = arith.constant 0 : i32
        %parallel_loop3A_234 = arith.constant 32 : i32
        %parallel_loop3A_235 = arith.constant 1 : i32
        scf.for %parallel_loop3A_242 = %parallel_loop3A to %parallel_loop3A_234 step %parallel_loop3A_235  : i32 {
          %parallel_loop3A_243 = arith.constant 16 : i32
          %parallel_loop3A_244 = arith.muli %parallel_loop3A_242, %parallel_loop3A_243 : i32
          %parallel_loop3A_245 = arith.index_cast %parallel_loop3A_244 : i32 to index
          %parallel_loop3A_246 = tpu.vector_load %arg5[%parallel_loop3A_245] {strides = array<i32>} : memref<512xi32, #tpu.memory_space<vmem>>, vector<16xi32>,
          %parallel_loop3A_247 = arith.constant 65535 : i32
          %parallel_loop3A_248 = vector.broadcast %parallel_loop3A_247 : i32 to vector<16xi32>
          %parallel_loop3A_249 = arith.andi %parallel_loop3A_246, %parallel_loop3A_248 : vector<16xi32>
          %parallel_loop3A_250 = arith.constant 16 : i32
          %parallel_loop3A_251 = vector.broadcast %parallel_loop3A_250 : i32 to vector<16xi32>
          %parallel_loop3A_252 = arith.shrui %parallel_loop3A_246, %parallel_loop3A_251 : vector<16xi32>
          %parallel_loop3A_253 = vector.broadcast %mul3A_233 : i32 to vector<16xi32>
          %parallel_loop3A_254 = arith.addi %parallel_loop3A_249, %parallel_loop3A_253 : vector<16xi32>
          %parallel_loop3A_255 = tpu.vector_load_idx %arg8[%parallel_loop3A_254] : memref<26000xf32, #tpu.memory_space<vmem>>[vector<16xi32>], vector<16xf32>,
          %parallel_loop3A_256 = arith.constant 16 : i32
          %parallel_loop3A_257 = vector.broadcast %parallel_loop3A_256 : i32 to vector<16xi32>
          %parallel_loop3A_258 = arith.muli %parallel_loop3A_249, %parallel_loop3A_257 : vector<16xi32>
          %parallel_loop3A_259 = arith.constant 16 : i32
          %parallel_loop3A_260 = vector.broadcast %parallel_loop3A_259 : i32 to vector<16xi32>
          %parallel_loop3A_261 = arith.muli %parallel_loop3A_252, %parallel_loop3A_260 : vector<16xi32>
          %parallel_loop3A_262 = arith.constant 0.000000e+00 : f32
          %parallel_loop3A_263 = vector.broadcast %parallel_loop3A_262 : f32 to vector<16xf32>
          %parallel_loop3A_264 = arith.constant 0.000000e+00 : f32
          %parallel_loop3A_265 = vector.broadcast %parallel_loop3A_264 : f32 to vector<16xf32>
          %parallel_loop3A_266 = arith.constant 0.000000e+00 : f32
          %parallel_loop3A_267 = vector.broadcast %parallel_loop3A_266 : f32 to vector<16xf32>
          %parallel_loop3A_268 = arith.constant 0.000000e+00 : f32
          %parallel_loop3A_269 = vector.broadcast %parallel_loop3A_268 : f32 to vector<16xf32>
          %parallel_loop3A_270 = arith.cmpi eq, %parallel_loop3A_249, %parallel_loop3A_252 : vector<16xi32>
          %parallel_loop3A_271 = arith.constant 0.000000e+00 : f32
          %parallel_loop3A_272 = vector.broadcast %parallel_loop3A_271 : f32 to vector<16xf32>
          %parallel_loop3A_273 = arith.select %parallel_loop3A_270, %parallel_loop3A_255, %parallel_loop3A_272 : vector<16xi1>, vector<16xf32>
          %parallel_loop3A_274 = arith.addi %parallel_loop3A_258, %iota3A : vector<16xi32>
          %parallel_loop3A_275 = tpu.vector_load_idx %arg7[%parallel_loop3A_274] : memref<16000xf32, #tpu.memory_space<vmem>>[vector<16xi32>], vector<16xf32>,
          %parallel_loop3A_276 = arith.addi %parallel_loop3A_261, %iota3A : vector<16xi32>
          %parallel_loop3A_277 = tpu.vector_load_idx %arg7[%parallel_loop3A_276] : memref<16000xf32, #tpu.memory_space<vmem>>[vector<16xi32>], vector<16xf32>,
          %parallel_loop3A_278 = arith.mulf %parallel_loop3A_275, %parallel_loop3A_277 : vector<16xf32>
          %parallel_loop3A_279 = arith.addf %parallel_loop3A_263, %parallel_loop3A_278 : vector<16xf32>
          %parallel_loop3A_280 = arith.constant 1 : i32
          %parallel_loop3A_281 = vector.broadcast %parallel_loop3A_280 : i32 to vector<16xi32>
          %parallel_loop3A_282 = arith.addi %iota3A, %parallel_loop3A_281 : vector<16xi32>
          %parallel_loop3A_283 = arith.constant 15 : i32
          %parallel_loop3A_284 = vector.broadcast %parallel_loop3A_283 : i32 to vector<16xi32>
          %parallel_loop3A_285 = arith.andi %parallel_loop3A_282, %parallel_loop3A_284 : vector<16xi32>
          %parallel_loop3A_286 = arith.addi %parallel_loop3A_258, %parallel_loop3A_285 : vector<16xi32>
          %parallel_loop3A_287 = tpu.vector_load_idx %arg7[%parallel_loop3A_286] : memref<16000xf32, #tpu.memory_space<vmem>>[vector<16xi32>], vector<16xf32>,
          %parallel_loop3A_288 = arith.addi %parallel_loop3A_261, %parallel_loop3A_285 : vector<16xi32>
          %parallel_loop3A_289 = tpu.vector_load_idx %arg7[%parallel_loop3A_288] : memref<16000xf32, #tpu.memory_space<vmem>>[vector<16xi32>], vector<16xf32>,
          %parallel_loop3A_290 = arith.mulf %parallel_loop3A_287, %parallel_loop3A_289 : vector<16xf32>
          %parallel_loop3A_291 = arith.addf %parallel_loop3A_265, %parallel_loop3A_290 : vector<16xf32>
          %parallel_loop3A_292 = arith.constant 1 : i32
          %parallel_loop3A_293 = vector.broadcast %parallel_loop3A_292 : i32 to vector<16xi32>
          %parallel_loop3A_294 = arith.addi %parallel_loop3A_285, %parallel_loop3A_293 : vector<16xi32>
          %parallel_loop3A_295 = arith.constant 15 : i32
          %parallel_loop3A_296 = vector.broadcast %parallel_loop3A_295 : i32 to vector<16xi32>
          %parallel_loop3A_297 = arith.andi %parallel_loop3A_294, %parallel_loop3A_296 : vector<16xi32>
          %parallel_loop3A_298 = arith.addi %parallel_loop3A_258, %parallel_loop3A_297 : vector<16xi32>
          %parallel_loop3A_299 = tpu.vector_load_idx %arg7[%parallel_loop3A_298] : memref<16000xf32, #tpu.memory_space<vmem>>[vector<16xi32>], vector<16xf32>,
          %parallel_loop3A_300 = arith.addi %parallel_loop3A_261, %parallel_loop3A_297 : vector<16xi32>
          %parallel_loop3A_301 = tpu.vector_load_idx %arg7[%parallel_loop3A_300] : memref<16000xf32, #tpu.memory_space<vmem>>[vector<16xi32>], vector<16xf32>,
          %parallel_loop3A_302 = arith.mulf %parallel_loop3A_299, %parallel_loop3A_301 : vector<16xf32>
          %parallel_loop3A_303 = arith.addf %parallel_loop3A_267, %parallel_loop3A_302 : vector<16xf32>
          %parallel_loop3A_304 = arith.constant 1 : i32
          %parallel_loop3A_305 = vector.broadcast %parallel_loop3A_304 : i32 to vector<16xi32>
          %parallel_loop3A_306 = arith.addi %parallel_loop3A_297, %parallel_loop3A_305 : vector<16xi32>
          %parallel_loop3A_307 = arith.constant 15 : i32
          %parallel_loop3A_308 = vector.broadcast %parallel_loop3A_307 : i32 to vector<16xi32>
          %parallel_loop3A_309 = arith.andi %parallel_loop3A_306, %parallel_loop3A_308 : vector<16xi32>
          %parallel_loop3A_310 = arith.addi %parallel_loop3A_258, %parallel_loop3A_309 : vector<16xi32>
          %parallel_loop3A_311 = tpu.vector_load_idx %arg7[%parallel_loop3A_310] : memref<16000xf32, #tpu.memory_space<vmem>>[vector<16xi32>], vector<16xf32>,
          %parallel_loop3A_312 = arith.addi %parallel_loop3A_261, %parallel_loop3A_309 : vector<16xi32>
          %parallel_loop3A_313 = tpu.vector_load_idx %arg7[%parallel_loop3A_312] : memref<16000xf32, #tpu.memory_space<vmem>>[vector<16xi32>], vector<16xf32>,
          %parallel_loop3A_314 = arith.mulf %parallel_loop3A_311, %parallel_loop3A_313 : vector<16xf32>
          %parallel_loop3A_315 = arith.addf %parallel_loop3A_273, %parallel_loop3A_314 : vector<16xf32>
          %parallel_loop3A_316 = arith.constant 1 : i32
          %parallel_loop3A_317 = vector.broadcast %parallel_loop3A_316 : i32 to vector<16xi32>
          %parallel_loop3A_318 = arith.addi %parallel_loop3A_309, %parallel_loop3A_317 : vector<16xi32>
          %parallel_loop3A_319 = arith.constant 15 : i32
          %parallel_loop3A_320 = vector.broadcast %parallel_loop3A_319 : i32 to vector<16xi32>
          %parallel_loop3A_321 = arith.andi %parallel_loop3A_318, %parallel_loop3A_320 : vector<16xi32>
          %parallel_loop3A_322 = arith.addi %parallel_loop3A_258, %parallel_loop3A_321 : vector<16xi32>
          %parallel_loop3A_323 = tpu.vector_load_idx %arg7[%parallel_loop3A_322] : memref<16000xf32, #tpu.memory_space<vmem>>[vector<16xi32>], vector<16xf32>,
          %parallel_loop3A_324 = arith.addi %parallel_loop3A_261, %parallel_loop3A_321 : vector<16xi32>
          %parallel_loop3A_325 = tpu.vector_load_idx %arg7[%parallel_loop3A_324] : memref<16000xf32, #tpu.memory_space<vmem>>[vector<16xi32>], vector<16xf32>,
          %parallel_loop3A_326 = arith.mulf %parallel_loop3A_323, %parallel_loop3A_325 : vector<16xf32>
          %parallel_loop3A_327 = arith.addf %parallel_loop3A_279, %parallel_loop3A_326 : vector<16xf32>
          %parallel_loop3A_328 = arith.constant 1 : i32
          %parallel_loop3A_329 = vector.broadcast %parallel_loop3A_328 : i32 to vector<16xi32>
          %parallel_loop3A_330 = arith.addi %parallel_loop3A_321, %parallel_loop3A_329 : vector<16xi32>
          %parallel_loop3A_331 = arith.constant 15 : i32
          %parallel_loop3A_332 = vector.broadcast %parallel_loop3A_331 : i32 to vector<16xi32>
          %parallel_loop3A_333 = arith.andi %parallel_loop3A_330, %parallel_loop3A_332 : vector<16xi32>
          %parallel_loop3A_334 = arith.addi %parallel_loop3A_258, %parallel_loop3A_333 : vector<16xi32>
          %parallel_loop3A_335 = tpu.vector_load_idx %arg7[%parallel_loop3A_334] : memref<16000xf32, #tpu.memory_space<vmem>>[vector<16xi32>], vector<16xf32>,
          %parallel_loop3A_336 = arith.addi %parallel_loop3A_261, %parallel_loop3A_333 : vector<16xi32>
          %parallel_loop3A_337 = tpu.vector_load_idx %arg7[%parallel_loop3A_336] : memref<16000xf32, #tpu.memory_space<vmem>>[vector<16xi32>], vector<16xf32>,
          %parallel_loop3A_338 = arith.mulf %parallel_loop3A_335, %parallel_loop3A_337 : vector<16xf32>
          %parallel_loop3A_339 = arith.addf %parallel_loop3A_291, %parallel_loop3A_338 : vector<16xf32>
          %parallel_loop3A_340 = arith.constant 1 : i32
          %parallel_loop3A_341 = vector.broadcast %parallel_loop3A_340 : i32 to vector<16xi32>
          %parallel_loop3A_342 = arith.addi %parallel_loop3A_333, %parallel_loop3A_341 : vector<16xi32>
          %parallel_loop3A_343 = arith.constant 15 : i32
          %parallel_loop3A_344 = vector.broadcast %parallel_loop3A_343 : i32 to vector<16xi32>
          %parallel_loop3A_345 = arith.andi %parallel_loop3A_342, %parallel_loop3A_344 : vector<16xi32>
          %parallel_loop3A_346 = arith.addi %parallel_loop3A_258, %parallel_loop3A_345 : vector<16xi32>
          %parallel_loop3A_347 = tpu.vector_load_idx %arg7[%parallel_loop3A_346] : memref<16000xf32, #tpu.memory_space<vmem>>[vector<16xi32>], vector<16xf32>,
          %parallel_loop3A_348 = arith.addi %parallel_loop3A_261, %parallel_loop3A_345 : vector<16xi32>
          %parallel_loop3A_349 = tpu.vector_load_idx %arg7[%parallel_loop3A_348] : memref<16000xf32, #tpu.memory_space<vmem>>[vector<16xi32>], vector<16xf32>,
          %parallel_loop3A_350 = arith.mulf %parallel_loop3A_347, %parallel_loop3A_349 : vector<16xf32>
          %parallel_loop3A_351 = arith.addf %parallel_loop3A_303, %parallel_loop3A_350 : vector<16xf32>
          %parallel_loop3A_352 = arith.constant 1 : i32
          %parallel_loop3A_353 = vector.broadcast %parallel_loop3A_352 : i32 to vector<16xi32>
          %parallel_loop3A_354 = arith.addi %parallel_loop3A_345, %parallel_loop3A_353 : vector<16xi32>
          %parallel_loop3A_355 = arith.constant 15 : i32
          %parallel_loop3A_356 = vector.broadcast %parallel_loop3A_355 : i32 to vector<16xi32>
          %parallel_loop3A_357 = arith.andi %parallel_loop3A_354, %parallel_loop3A_356 : vector<16xi32>
          %parallel_loop3A_358 = arith.addi %parallel_loop3A_258, %parallel_loop3A_357 : vector<16xi32>
          %parallel_loop3A_359 = tpu.vector_load_idx %arg7[%parallel_loop3A_358] : memref<16000xf32, #tpu.memory_space<vmem>>[vector<16xi32>], vector<16xf32>,
          %parallel_loop3A_360 = arith.addi %parallel_loop3A_261, %parallel_loop3A_357 : vector<16xi32>
          %parallel_loop3A_361 = tpu.vector_load_idx %arg7[%parallel_loop3A_360] : memref<16000xf32, #tpu.memory_space<vmem>>[vector<16xi32>], vector<16xf32>,
          %parallel_loop3A_362 = arith.mulf %parallel_loop3A_359, %parallel_loop3A_361 : vector<16xf32>
          %parallel_loop3A_363 = arith.addf %parallel_loop3A_315, %parallel_loop3A_362 : vector<16xf32>
          %parallel_loop3A_364 = arith.constant 1 : i32
          %parallel_loop3A_365 = vector.broadcast %parallel_loop3A_364 : i32 to vector<16xi32>
          %parallel_loop3A_366 = arith.addi %parallel_loop3A_357, %parallel_loop3A_365 : vector<16xi32>
          %parallel_loop3A_367 = arith.constant 15 : i32
          %parallel_loop3A_368 = vector.broadcast %parallel_loop3A_367 : i32 to vector<16xi32>
          %parallel_loop3A_369 = arith.andi %parallel_loop3A_366, %parallel_loop3A_368 : vector<16xi32>
          %parallel_loop3A_370 = arith.addi %parallel_loop3A_258, %parallel_loop3A_369 : vector<16xi32>
          %parallel_loop3A_371 = tpu.vector_load_idx %arg7[%parallel_loop3A_370] : memref<16000xf32, #tpu.memory_space<vmem>>[vector<16xi32>], vector<16xf32>,
          %parallel_loop3A_372 = arith.addi %parallel_loop3A_261, %parallel_loop3A_369 : vector<16xi32>
          %parallel_loop3A_373 = tpu.vector_load_idx %arg7[%parallel_loop3A_372] : memref<16000xf32, #tpu.memory_space<vmem>>[vector<16xi32>], vector<16xf32>,
          %parallel_loop3A_374 = arith.mulf %parallel_loop3A_371, %parallel_loop3A_373 : vector<16xf32>
          %parallel_loop3A_375 = arith.addf %parallel_loop3A_327, %parallel_loop3A_374 : vector<16xf32>
          %parallel_loop3A_376 = arith.constant 1 : i32
          %parallel_loop3A_377 = vector.broadcast %parallel_loop3A_376 : i32 to vector<16xi32>
          %parallel_loop3A_378 = arith.addi %parallel_loop3A_369, %parallel_loop3A_377 : vector<16xi32>
          %parallel_loop3A_379 = arith.constant 15 : i32
          %parallel_loop3A_380 = vector.broadcast %parallel_loop3A_379 : i32 to vector<16xi32>
          %parallel_loop3A_381 = arith.andi %parallel_loop3A_378, %parallel_loop3A_380 : vector<16xi32>
          %parallel_loop3A_382 = arith.addi %parallel_loop3A_258, %parallel_loop3A_381 : vector<16xi32>
          %parallel_loop3A_383 = tpu.vector_load_idx %arg7[%parallel_loop3A_382] : memref<16000xf32, #tpu.memory_space<vmem>>[vector<16xi32>], vector<16xf32>,
          %parallel_loop3A_384 = arith.addi %parallel_loop3A_261, %parallel_loop3A_381 : vector<16xi32>
          %parallel_loop3A_385 = tpu.vector_load_idx %arg7[%parallel_loop3A_384] : memref<16000xf32, #tpu.memory_space<vmem>>[vector<16xi32>], vector<16xf32>,
          %parallel_loop3A_386 = arith.mulf %parallel_loop3A_383, %parallel_loop3A_385 : vector<16xf32>
          %parallel_loop3A_387 = arith.addf %parallel_loop3A_339, %parallel_loop3A_386 : vector<16xf32>
          %parallel_loop3A_388 = arith.constant 1 : i32
          %parallel_loop3A_389 = vector.broadcast %parallel_loop3A_388 : i32 to vector<16xi32>
          %parallel_loop3A_390 = arith.addi %parallel_loop3A_381, %parallel_loop3A_389 : vector<16xi32>
          %parallel_loop3A_391 = arith.constant 15 : i32
          %parallel_loop3A_392 = vector.broadcast %parallel_loop3A_391 : i32 to vector<16xi32>
          %parallel_loop3A_393 = arith.andi %parallel_loop3A_390, %parallel_loop3A_392 : vector<16xi32>
          %parallel_loop3A_394 = arith.addi %parallel_loop3A_258, %parallel_loop3A_393 : vector<16xi32>
          %parallel_loop3A_395 = tpu.vector_load_idx %arg7[%parallel_loop3A_394] : memref<16000xf32, #tpu.memory_space<vmem>>[vector<16xi32>], vector<16xf32>,
          %parallel_loop3A_396 = arith.addi %parallel_loop3A_261, %parallel_loop3A_393 : vector<16xi32>
          %parallel_loop3A_397 = tpu.vector_load_idx %arg7[%parallel_loop3A_396] : memref<16000xf32, #tpu.memory_space<vmem>>[vector<16xi32>], vector<16xf32>,
          %parallel_loop3A_398 = arith.mulf %parallel_loop3A_395, %parallel_loop3A_397 : vector<16xf32>
          %parallel_loop3A_399 = arith.addf %parallel_loop3A_351, %parallel_loop3A_398 : vector<16xf32>
          %parallel_loop3A_400 = arith.constant 1 : i32
          %parallel_loop3A_401 = vector.broadcast %parallel_loop3A_400 : i32 to vector<16xi32>
          %parallel_loop3A_402 = arith.addi %parallel_loop3A_393, %parallel_loop3A_401 : vector<16xi32>
          %parallel_loop3A_403 = arith.constant 15 : i32
          %parallel_loop3A_404 = vector.broadcast %parallel_loop3A_403 : i32 to vector<16xi32>
          %parallel_loop3A_405 = arith.andi %parallel_loop3A_402, %parallel_loop3A_404 : vector<16xi32>
          %parallel_loop3A_406 = arith.addi %parallel_loop3A_258, %parallel_loop3A_405 : vector<16xi32>
          %parallel_loop3A_407 = tpu.vector_load_idx %arg7[%parallel_loop3A_406] : memref<16000xf32, #tpu.memory_space<vmem>>[vector<16xi32>], vector<16xf32>,
          %parallel_loop3A_408 = arith.addi %parallel_loop3A_261, %parallel_loop3A_405 : vector<16xi32>
          %parallel_loop3A_409 = tpu.vector_load_idx %arg7[%parallel_loop3A_408] : memref<16000xf32, #tpu.memory_space<vmem>>[vector<16xi32>], vector<16xf32>,
          %parallel_loop3A_410 = arith.mulf %parallel_loop3A_407, %parallel_loop3A_409 : vector<16xf32>
          %parallel_loop3A_411 = arith.addf %parallel_loop3A_363, %parallel_loop3A_410 : vector<16xf32>
          %parallel_loop3A_412 = arith.constant 1 : i32
          %parallel_loop3A_413 = vector.broadcast %parallel_loop3A_412 : i32 to vector<16xi32>
          %parallel_loop3A_414 = arith.addi %parallel_loop3A_405, %parallel_loop3A_413 : vector<16xi32>
          %parallel_loop3A_415 = arith.constant 15 : i32
          %parallel_loop3A_416 = vector.broadcast %parallel_loop3A_415 : i32 to vector<16xi32>
          %parallel_loop3A_417 = arith.andi %parallel_loop3A_414, %parallel_loop3A_416 : vector<16xi32>
          %parallel_loop3A_418 = arith.addi %parallel_loop3A_258, %parallel_loop3A_417 : vector<16xi32>
          %parallel_loop3A_419 = tpu.vector_load_idx %arg7[%parallel_loop3A_418] : memref<16000xf32, #tpu.memory_space<vmem>>[vector<16xi32>], vector<16xf32>,
          %parallel_loop3A_420 = arith.addi %parallel_loop3A_261, %parallel_loop3A_417 : vector<16xi32>
          %parallel_loop3A_421 = tpu.vector_load_idx %arg7[%parallel_loop3A_420] : memref<16000xf32, #tpu.memory_space<vmem>>[vector<16xi32>], vector<16xf32>,
          %parallel_loop3A_422 = arith.mulf %parallel_loop3A_419, %parallel_loop3A_421 : vector<16xf32>
          %parallel_loop3A_423 = arith.addf %parallel_loop3A_375, %parallel_loop3A_422 : vector<16xf32>
          %parallel_loop3A_424 = arith.constant 1 : i32
          %parallel_loop3A_425 = vector.broadcast %parallel_loop3A_424 : i32 to vector<16xi32>
          %parallel_loop3A_426 = arith.addi %parallel_loop3A_417, %parallel_loop3A_425 : vector<16xi32>
          %parallel_loop3A_427 = arith.constant 15 : i32
          %parallel_loop3A_428 = vector.broadcast %parallel_loop3A_427 : i32 to vector<16xi32>
          %parallel_loop3A_429 = arith.andi %parallel_loop3A_426, %parallel_loop3A_428 : vector<16xi32>
          %parallel_loop3A_430 = arith.addi %parallel_loop3A_258, %parallel_loop3A_429 : vector<16xi32>
          %parallel_loop3A_431 = tpu.vector_load_idx %arg7[%parallel_loop3A_430] : memref<16000xf32, #tpu.memory_space<vmem>>[vector<16xi32>], vector<16xf32>,
          %parallel_loop3A_432 = arith.addi %parallel_loop3A_261, %parallel_loop3A_429 : vector<16xi32>
          %parallel_loop3A_433 = tpu.vector_load_idx %arg7[%parallel_loop3A_432] : memref<16000xf32, #tpu.memory_space<vmem>>[vector<16xi32>], vector<16xf32>,
          %parallel_loop3A_434 = arith.mulf %parallel_loop3A_431, %parallel_loop3A_433 : vector<16xf32>
          %parallel_loop3A_435 = arith.addf %parallel_loop3A_387, %parallel_loop3A_434 : vector<16xf32>
          %parallel_loop3A_436 = arith.constant 1 : i32
          %parallel_loop3A_437 = vector.broadcast %parallel_loop3A_436 : i32 to vector<16xi32>
          %parallel_loop3A_438 = arith.addi %parallel_loop3A_429, %parallel_loop3A_437 : vector<16xi32>
          %parallel_loop3A_439 = arith.constant 15 : i32
          %parallel_loop3A_440 = vector.broadcast %parallel_loop3A_439 : i32 to vector<16xi32>
          %parallel_loop3A_441 = arith.andi %parallel_loop3A_438, %parallel_loop3A_440 : vector<16xi32>
          %parallel_loop3A_442 = arith.addi %parallel_loop3A_258, %parallel_loop3A_441 : vector<16xi32>
          %parallel_loop3A_443 = tpu.vector_load_idx %arg7[%parallel_loop3A_442] : memref<16000xf32, #tpu.memory_space<vmem>>[vector<16xi32>], vector<16xf32>,
          %parallel_loop3A_444 = arith.addi %parallel_loop3A_261, %parallel_loop3A_441 : vector<16xi32>
          %parallel_loop3A_445 = tpu.vector_load_idx %arg7[%parallel_loop3A_444] : memref<16000xf32, #tpu.memory_space<vmem>>[vector<16xi32>], vector<16xf32>,
          %parallel_loop3A_446 = arith.mulf %parallel_loop3A_443, %parallel_loop3A_445 : vector<16xf32>
          %parallel_loop3A_447 = arith.addf %parallel_loop3A_399, %parallel_loop3A_446 : vector<16xf32>
          %parallel_loop3A_448 = arith.constant 1 : i32
          %parallel_loop3A_449 = vector.broadcast %parallel_loop3A_448 : i32 to vector<16xi32>
          %parallel_loop3A_450 = arith.addi %parallel_loop3A_441, %parallel_loop3A_449 : vector<16xi32>
          %parallel_loop3A_451 = arith.constant 15 : i32
          %parallel_loop3A_452 = vector.broadcast %parallel_loop3A_451 : i32 to vector<16xi32>
          %parallel_loop3A_453 = arith.andi %parallel_loop3A_450, %parallel_loop3A_452 : vector<16xi32>
          %parallel_loop3A_454 = arith.addi %parallel_loop3A_258, %parallel_loop3A_453 : vector<16xi32>
          %parallel_loop3A_455 = tpu.vector_load_idx %arg7[%parallel_loop3A_454] : memref<16000xf32, #tpu.memory_space<vmem>>[vector<16xi32>], vector<16xf32>,
          %parallel_loop3A_456 = arith.addi %parallel_loop3A_261, %parallel_loop3A_453 : vector<16xi32>
          %parallel_loop3A_457 = tpu.vector_load_idx %arg7[%parallel_loop3A_456] : memref<16000xf32, #tpu.memory_space<vmem>>[vector<16xi32>], vector<16xf32>,
          %parallel_loop3A_458 = arith.mulf %parallel_loop3A_455, %parallel_loop3A_457 : vector<16xf32>
          %parallel_loop3A_459 = arith.addf %parallel_loop3A_411, %parallel_loop3A_458 : vector<16xf32>
          %parallel_loop3A_460 = arith.addf %parallel_loop3A_423, %parallel_loop3A_435 : vector<16xf32>
          %parallel_loop3A_461 = arith.addf %parallel_loop3A_447, %parallel_loop3A_459 : vector<16xf32>
          %parallel_loop3A_462 = arith.addf %parallel_loop3A_460, %parallel_loop3A_461 : vector<16xf32>
          %parallel_loop3A_463 = arith.constant 16 : i32
          %parallel_loop3A_464 = arith.muli %parallel_loop3A_242, %parallel_loop3A_463 : i32
          %parallel_loop3A_465 = arith.index_cast %parallel_loop3A_464 : i32 to index
          %parallel_loop3A_466 = tpu.vector_load %arg9[%parallel_loop3A_465] {strides = array<i32>} : memref<512xf32, #tpu.memory_space<vmem>>, vector<16xf32>,
          tpu.vector_store %arg9[%parallel_loop3A_465], %parallel_loop3A_462 {strides = array<i32>} : memref<512xf32, #tpu.memory_space<vmem>>, vector<16xf32>,
        } {sc.loop_unroll_factor = 2 : i64, sc.parallel_access}
        %dma_start3A_236 = arith.constant 0 : i32
        %dma_start3A_237 = tpu.memref_slice %arg13[%select_n3A_124, %select_n3A_108, %dma_start3A_236] : memref<16x26x512xf32, #tpu.memory_space<vmem_shared>> -> memref<1x1x512xf32, #tpu.memory_space<vmem_shared>>
        %dma_start3A_238 = tpu.memref_squeeze %dma_start3A_237 : memref<1x1x512xf32, #tpu.memory_space<vmem_shared>> -> memref<512xf32, #tpu.memory_space<vmem_shared>>
        %dma_start3A_239 = arith.constant 0 : i32
        %dma_start3A_240 = tpu.memref_slice %arg13[%select_n3A_124, %select_n3A_108, %dma_start3A_239] : memref<16x26x512xf32, #tpu.memory_space<vmem_shared>> -> memref<1x1x512xf32, #tpu.memory_space<vmem_shared>>
        %dma_start3A_241 = tpu.memref_squeeze %dma_start3A_240 : memref<1x1x512xf32, #tpu.memory_space<vmem_shared>> -> memref<512xf32, #tpu.memory_space<vmem_shared>>
        tpu.enqueue_dma source(%arg9 : memref<512xf32, #tpu.memory_space<vmem>>) target(%dma_start3A_241 : memref<512xf32, #tpu.memory_space<vmem_shared>>) target_semaphore(%arg16 : memref<!tpu.dma_semaphore, #tpu.memory_space<semaphore_mem>>)
      } else {
      }
      %jit3A_200 = arith.constant 2 : i32
      %eq3A_201 = arith.constant 0 : i32
      %eq3A_202 = arith.cmpi eq, %jit3A_200, %eq3A_201 : i32
      %jit3A_203 = arith.constant 1 : i32
      %select_n3A_204 = arith.select %eq3A_202, %jit3A_203, %jit3A_200 : i32
      %rem3A_205 = arith.remsi %scan3A_82, %select_n3A_204 : i32
      %ne3A_206 = arith.constant 0 : i32
      %ne3A_207 = arith.cmpi ne, %rem3A_205, %ne3A_206 : i32
      %lt3A_208 = arith.constant 0 : i32
      %lt3A_209 = arith.cmpi slt, %rem3A_205, %lt3A_208 : i32
      %lt3A_210 = arith.constant 0 : i32
      %lt3A_211 = arith.cmpi slt, %select_n3A_204, %lt3A_210 : i32
      %ne3A_212 = arith.xori %lt3A_209, %lt3A_211 : i1
      %and3A_213 = arith.andi %ne3A_212, %ne3A_207 : i1
      %add3A_214 = arith.addi %rem3A_205, %select_n3A_204 : i32
      %select_n3A_215 = arith.select %and3A_213, %add3A_214, %rem3A_205 : i32
      %eq3A_216 = arith.constant 1 : i32
      %eq3A_217 = arith.cmpi eq, %select_n3A_215, %eq3A_216 : i32
      %convert_element_type3A_218 = arith.extui %eq3A_217 : i1 to i32
      %cond3A_219 = arith.constant 0 : i32
      %cond3A_220 = arith.cmpi ne, %convert_element_type3A_218, %cond3A_219 : i32
      scf.if %cond3A_220 {
        %dma_start3A_222 = tpu.memref_slice %arg2[%add3A_178] : memref<425984xi32, #tpu.memory_space<hbm>> -> memref<512xi32, #tpu.memory_space<hbm>>
        %dma_start3A_223 = tpu.memref_slice %arg2[%add3A_178] : memref<425984xi32, #tpu.memory_space<hbm>> -> memref<512xi32, #tpu.memory_space<hbm>>
        tpu.enqueue_dma source(%dma_start3A_223 : memref<512xi32, #tpu.memory_space<hbm>>) target(%arg5 : memref<512xi32, #tpu.memory_space<vmem>>) target_semaphore(%arg14 : memref<!tpu.dma_semaphore, #tpu.memory_space<semaphore_mem>>)
        %dma_wait3A_224 = arith.constant 0 : i32
        %dma_wait3A_225 = tpu.memref_slice %arg2[%dma_wait3A_224] : memref<425984xi32, #tpu.memory_space<hbm>> -> memref<512xi32, #tpu.memory_space<hbm>>
        %dma_wait3A_226 = arith.constant 0 : i32
        %dma_wait3A_227 = tpu.memref_slice %arg2[%dma_wait3A_226] : memref<425984xi32, #tpu.memory_space<hbm>> -> memref<512xi32, #tpu.memory_space<hbm>>
        tpu.wait_dma2 semaphore(%arg15 : memref<!tpu.dma_semaphore, #tpu.memory_space<semaphore_mem>>) src(%dma_wait3A_227 : memref<512xi32, #tpu.memory_space<hbm>>) dst(%arg6 : memref<512xi32, #tpu.memory_space<vmem>>)
        %ge3A = arith.constant 2 : i32
        %ge3A_228 = arith.cmpi sge, %scan3A_82, %ge3A : i32
        %convert_element_type3A_229 = arith.extui %ge3A_228 : i1 to i32
        %cond3A_230 = arith.constant 0 : i32
        %cond3A_231 = arith.cmpi ne, %convert_element_type3A_229, %cond3A_230 : i32
        scf.if %cond3A_231 {
          %dma_wait3A_242 = arith.constant 0 : i32
          %dma_wait3A_243 = arith.constant 0 : i32
          %dma_wait3A_244 = arith.constant 0 : i32
          %dma_wait3A_245 = tpu.memref_slice %arg13[%dma_wait3A_242, %dma_wait3A_243, %dma_wait3A_244] : memref<16x26x512xf32, #tpu.memory_space<vmem_shared>> -> memref<1x1x512xf32, #tpu.memory_space<vmem_shared>>
          %dma_wait3A_246 = tpu.memref_squeeze %dma_wait3A_245 : memref<1x1x512xf32, #tpu.memory_space<vmem_shared>> -> memref<512xf32, #tpu.memory_space<vmem_shared>>
          %dma_wait3A_247 = arith.constant 0 : i32
          %dma_wait3A_248 = tpu.memref_slice %arg13[%dma_wait3A_242, %dma_wait3A_243, %dma_wait3A_247] : memref<16x26x512xf32, #tpu.memory_space<vmem_shared>> -> memref<1x1x512xf32, #tpu.memory_space<vmem_shared>>
          %dma_wait3A_249 = tpu.memref_squeeze %dma_wait3A_248 : memref<1x1x512xf32, #tpu.memory_space<vmem_shared>> -> memref<512xf32, #tpu.memory_space<vmem_shared>>
          tpu.wait_dma2 semaphore(%arg16 : memref<!tpu.dma_semaphore, #tpu.memory_space<semaphore_mem>>) src(%arg10 : memref<512xf32, #tpu.memory_space<vmem>>) dst(%dma_wait3A_249 : memref<512xf32, #tpu.memory_space<vmem_shared>>)
        } else {
        }
        %mul3A_232 = arith.constant 1000 : i32
        %mul3A_233 = arith.muli %select_n3A_108, %mul3A_232 : i32
        %parallel_loop3A = arith.constant 0 : i32
        %parallel_loop3A_234 = arith.constant 32 : i32
        %parallel_loop3A_235 = arith.constant 1 : i32
        scf.for %parallel_loop3A_242 = %parallel_loop3A to %parallel_loop3A_234 step %parallel_loop3A_235  : i32 {
          %parallel_loop3A_243 = arith.constant 16 : i32
          %parallel_loop3A_244 = arith.muli %parallel_loop3A_242, %parallel_loop3A_243 : i32
          %parallel_loop3A_245 = arith.index_cast %parallel_loop3A_244 : i32 to index
          %parallel_loop3A_246 = tpu.vector_load %arg6[%parallel_loop3A_245] {strides = array<i32>} : memref<512xi32, #tpu.memory_space<vmem>>, vector<16xi32>,
          %parallel_loop3A_247 = arith.constant 65535 : i32
          %parallel_loop3A_248 = vector.broadcast %parallel_loop3A_247 : i32 to vector<16xi32>
          %parallel_loop3A_249 = arith.andi %parallel_loop3A_246, %parallel_loop3A_248 : vector<16xi32>
          %parallel_loop3A_250 = arith.constant 16 : i32
          %parallel_loop3A_251 = vector.broadcast %parallel_loop3A_250 : i32 to vector<16xi32>
          %parallel_loop3A_252 = arith.shrui %parallel_loop3A_246, %parallel_loop3A_251 : vector<16xi32>
          %parallel_loop3A_253 = vector.broadcast %mul3A_233 : i32 to vector<16xi32>
          %parallel_loop3A_254 = arith.addi %parallel_loop3A_249, %parallel_loop3A_253 : vector<16xi32>
          %parallel_loop3A_255 = tpu.vector_load_idx %arg8[%parallel_loop3A_254] : memref<26000xf32, #tpu.memory_space<vmem>>[vector<16xi32>], vector<16xf32>,
          %parallel_loop3A_256 = arith.constant 16 : i32
          %parallel_loop3A_257 = vector.broadcast %parallel_loop3A_256 : i32 to vector<16xi32>
          %parallel_loop3A_258 = arith.muli %parallel_loop3A_249, %parallel_loop3A_257 : vector<16xi32>
          %parallel_loop3A_259 = arith.constant 16 : i32
          %parallel_loop3A_260 = vector.broadcast %parallel_loop3A_259 : i32 to vector<16xi32>
          %parallel_loop3A_261 = arith.muli %parallel_loop3A_252, %parallel_loop3A_260 : vector<16xi32>
          %parallel_loop3A_262 = arith.constant 0.000000e+00 : f32
          %parallel_loop3A_263 = vector.broadcast %parallel_loop3A_262 : f32 to vector<16xf32>
          %parallel_loop3A_264 = arith.constant 0.000000e+00 : f32
          %parallel_loop3A_265 = vector.broadcast %parallel_loop3A_264 : f32 to vector<16xf32>
          %parallel_loop3A_266 = arith.constant 0.000000e+00 : f32
          %parallel_loop3A_267 = vector.broadcast %parallel_loop3A_266 : f32 to vector<16xf32>
          %parallel_loop3A_268 = arith.constant 0.000000e+00 : f32
          %parallel_loop3A_269 = vector.broadcast %parallel_loop3A_268 : f32 to vector<16xf32>
          %parallel_loop3A_270 = arith.cmpi eq, %parallel_loop3A_249, %parallel_loop3A_252 : vector<16xi32>
          %parallel_loop3A_271 = arith.constant 0.000000e+00 : f32
          %parallel_loop3A_272 = vector.broadcast %parallel_loop3A_271 : f32 to vector<16xf32>
          %parallel_loop3A_273 = arith.select %parallel_loop3A_270, %parallel_loop3A_255, %parallel_loop3A_272 : vector<16xi1>, vector<16xf32>
          %parallel_loop3A_274 = arith.addi %parallel_loop3A_258, %iota3A : vector<16xi32>
          %parallel_loop3A_275 = tpu.vector_load_idx %arg7[%parallel_loop3A_274] : memref<16000xf32, #tpu.memory_space<vmem>>[vector<16xi32>], vector<16xf32>,
          %parallel_loop3A_276 = arith.addi %parallel_loop3A_261, %iota3A : vector<16xi32>
          %parallel_loop3A_277 = tpu.vector_load_idx %arg7[%parallel_loop3A_276] : memref<16000xf32, #tpu.memory_space<vmem>>[vector<16xi32>], vector<16xf32>,
          %parallel_loop3A_278 = arith.mulf %parallel_loop3A_275, %parallel_loop3A_277 : vector<16xf32>
          %parallel_loop3A_279 = arith.addf %parallel_loop3A_263, %parallel_loop3A_278 : vector<16xf32>
          %parallel_loop3A_280 = arith.constant 1 : i32
          %parallel_loop3A_281 = vector.broadcast %parallel_loop3A_280 : i32 to vector<16xi32>
          %parallel_loop3A_282 = arith.addi %iota3A, %parallel_loop3A_281 : vector<16xi32>
          %parallel_loop3A_283 = arith.constant 15 : i32
          %parallel_loop3A_284 = vector.broadcast %parallel_loop3A_283 : i32 to vector<16xi32>
          %parallel_loop3A_285 = arith.andi %parallel_loop3A_282, %parallel_loop3A_284 : vector<16xi32>
          %parallel_loop3A_286 = arith.addi %parallel_loop3A_258, %parallel_loop3A_285 : vector<16xi32>
          %parallel_loop3A_287 = tpu.vector_load_idx %arg7[%parallel_loop3A_286] : memref<16000xf32, #tpu.memory_space<vmem>>[vector<16xi32>], vector<16xf32>,
          %parallel_loop3A_288 = arith.addi %parallel_loop3A_261, %parallel_loop3A_285 : vector<16xi32>
          %parallel_loop3A_289 = tpu.vector_load_idx %arg7[%parallel_loop3A_288] : memref<16000xf32, #tpu.memory_space<vmem>>[vector<16xi32>], vector<16xf32>,
          %parallel_loop3A_290 = arith.mulf %parallel_loop3A_287, %parallel_loop3A_289 : vector<16xf32>
          %parallel_loop3A_291 = arith.addf %parallel_loop3A_265, %parallel_loop3A_290 : vector<16xf32>
          %parallel_loop3A_292 = arith.constant 1 : i32
          %parallel_loop3A_293 = vector.broadcast %parallel_loop3A_292 : i32 to vector<16xi32>
          %parallel_loop3A_294 = arith.addi %parallel_loop3A_285, %parallel_loop3A_293 : vector<16xi32>
          %parallel_loop3A_295 = arith.constant 15 : i32
          %parallel_loop3A_296 = vector.broadcast %parallel_loop3A_295 : i32 to vector<16xi32>
          %parallel_loop3A_297 = arith.andi %parallel_loop3A_294, %parallel_loop3A_296 : vector<16xi32>
          %parallel_loop3A_298 = arith.addi %parallel_loop3A_258, %parallel_loop3A_297 : vector<16xi32>
          %parallel_loop3A_299 = tpu.vector_load_idx %arg7[%parallel_loop3A_298] : memref<16000xf32, #tpu.memory_space<vmem>>[vector<16xi32>], vector<16xf32>,
          %parallel_loop3A_300 = arith.addi %parallel_loop3A_261, %parallel_loop3A_297 : vector<16xi32>
          %parallel_loop3A_301 = tpu.vector_load_idx %arg7[%parallel_loop3A_300] : memref<16000xf32, #tpu.memory_space<vmem>>[vector<16xi32>], vector<16xf32>,
          %parallel_loop3A_302 = arith.mulf %parallel_loop3A_299, %parallel_loop3A_301 : vector<16xf32>
          %parallel_loop3A_303 = arith.addf %parallel_loop3A_267, %parallel_loop3A_302 : vector<16xf32>
          %parallel_loop3A_304 = arith.constant 1 : i32
          %parallel_loop3A_305 = vector.broadcast %parallel_loop3A_304 : i32 to vector<16xi32>
          %parallel_loop3A_306 = arith.addi %parallel_loop3A_297, %parallel_loop3A_305 : vector<16xi32>
          %parallel_loop3A_307 = arith.constant 15 : i32
          %parallel_loop3A_308 = vector.broadcast %parallel_loop3A_307 : i32 to vector<16xi32>
          %parallel_loop3A_309 = arith.andi %parallel_loop3A_306, %parallel_loop3A_308 : vector<16xi32>
          %parallel_loop3A_310 = arith.addi %parallel_loop3A_258, %parallel_loop3A_309 : vector<16xi32>
          %parallel_loop3A_311 = tpu.vector_load_idx %arg7[%parallel_loop3A_310] : memref<16000xf32, #tpu.memory_space<vmem>>[vector<16xi32>], vector<16xf32>,
          %parallel_loop3A_312 = arith.addi %parallel_loop3A_261, %parallel_loop3A_309 : vector<16xi32>
          %parallel_loop3A_313 = tpu.vector_load_idx %arg7[%parallel_loop3A_312] : memref<16000xf32, #tpu.memory_space<vmem>>[vector<16xi32>], vector<16xf32>,
          %parallel_loop3A_314 = arith.mulf %parallel_loop3A_311, %parallel_loop3A_313 : vector<16xf32>
          %parallel_loop3A_315 = arith.addf %parallel_loop3A_273, %parallel_loop3A_314 : vector<16xf32>
          %parallel_loop3A_316 = arith.constant 1 : i32
          %parallel_loop3A_317 = vector.broadcast %parallel_loop3A_316 : i32 to vector<16xi32>
          %parallel_loop3A_318 = arith.addi %parallel_loop3A_309, %parallel_loop3A_317 : vector<16xi32>
          %parallel_loop3A_319 = arith.constant 15 : i32
          %parallel_loop3A_320 = vector.broadcast %parallel_loop3A_319 : i32 to vector<16xi32>
          %parallel_loop3A_321 = arith.andi %parallel_loop3A_318, %parallel_loop3A_320 : vector<16xi32>
          %parallel_loop3A_322 = arith.addi %parallel_loop3A_258, %parallel_loop3A_321 : vector<16xi32>
          %parallel_loop3A_323 = tpu.vector_load_idx %arg7[%parallel_loop3A_322] : memref<16000xf32, #tpu.memory_space<vmem>>[vector<16xi32>], vector<16xf32>,
          %parallel_loop3A_324 = arith.addi %parallel_loop3A_261, %parallel_loop3A_321 : vector<16xi32>
          %parallel_loop3A_325 = tpu.vector_load_idx %arg7[%parallel_loop3A_324] : memref<16000xf32, #tpu.memory_space<vmem>>[vector<16xi32>], vector<16xf32>,
          %parallel_loop3A_326 = arith.mulf %parallel_loop3A_323, %parallel_loop3A_325 : vector<16xf32>
          %parallel_loop3A_327 = arith.addf %parallel_loop3A_279, %parallel_loop3A_326 : vector<16xf32>
          %parallel_loop3A_328 = arith.constant 1 : i32
          %parallel_loop3A_329 = vector.broadcast %parallel_loop3A_328 : i32 to vector<16xi32>
          %parallel_loop3A_330 = arith.addi %parallel_loop3A_321, %parallel_loop3A_329 : vector<16xi32>
          %parallel_loop3A_331 = arith.constant 15 : i32
          %parallel_loop3A_332 = vector.broadcast %parallel_loop3A_331 : i32 to vector<16xi32>
          %parallel_loop3A_333 = arith.andi %parallel_loop3A_330, %parallel_loop3A_332 : vector<16xi32>
          %parallel_loop3A_334 = arith.addi %parallel_loop3A_258, %parallel_loop3A_333 : vector<16xi32>
          %parallel_loop3A_335 = tpu.vector_load_idx %arg7[%parallel_loop3A_334] : memref<16000xf32, #tpu.memory_space<vmem>>[vector<16xi32>], vector<16xf32>,
          %parallel_loop3A_336 = arith.addi %parallel_loop3A_261, %parallel_loop3A_333 : vector<16xi32>
          %parallel_loop3A_337 = tpu.vector_load_idx %arg7[%parallel_loop3A_336] : memref<16000xf32, #tpu.memory_space<vmem>>[vector<16xi32>], vector<16xf32>,
          %parallel_loop3A_338 = arith.mulf %parallel_loop3A_335, %parallel_loop3A_337 : vector<16xf32>
          %parallel_loop3A_339 = arith.addf %parallel_loop3A_291, %parallel_loop3A_338 : vector<16xf32>
          %parallel_loop3A_340 = arith.constant 1 : i32
          %parallel_loop3A_341 = vector.broadcast %parallel_loop3A_340 : i32 to vector<16xi32>
          %parallel_loop3A_342 = arith.addi %parallel_loop3A_333, %parallel_loop3A_341 : vector<16xi32>
          %parallel_loop3A_343 = arith.constant 15 : i32
          %parallel_loop3A_344 = vector.broadcast %parallel_loop3A_343 : i32 to vector<16xi32>
          %parallel_loop3A_345 = arith.andi %parallel_loop3A_342, %parallel_loop3A_344 : vector<16xi32>
          %parallel_loop3A_346 = arith.addi %parallel_loop3A_258, %parallel_loop3A_345 : vector<16xi32>
          %parallel_loop3A_347 = tpu.vector_load_idx %arg7[%parallel_loop3A_346] : memref<16000xf32, #tpu.memory_space<vmem>>[vector<16xi32>], vector<16xf32>,
          %parallel_loop3A_348 = arith.addi %parallel_loop3A_261, %parallel_loop3A_345 : vector<16xi32>
          %parallel_loop3A_349 = tpu.vector_load_idx %arg7[%parallel_loop3A_348] : memref<16000xf32, #tpu.memory_space<vmem>>[vector<16xi32>], vector<16xf32>,
          %parallel_loop3A_350 = arith.mulf %parallel_loop3A_347, %parallel_loop3A_349 : vector<16xf32>
          %parallel_loop3A_351 = arith.addf %parallel_loop3A_303, %parallel_loop3A_350 : vector<16xf32>
          %parallel_loop3A_352 = arith.constant 1 : i32
          %parallel_loop3A_353 = vector.broadcast %parallel_loop3A_352 : i32 to vector<16xi32>
          %parallel_loop3A_354 = arith.addi %parallel_loop3A_345, %parallel_loop3A_353 : vector<16xi32>
          %parallel_loop3A_355 = arith.constant 15 : i32
          %parallel_loop3A_356 = vector.broadcast %parallel_loop3A_355 : i32 to vector<16xi32>
          %parallel_loop3A_357 = arith.andi %parallel_loop3A_354, %parallel_loop3A_356 : vector<16xi32>
          %parallel_loop3A_358 = arith.addi %parallel_loop3A_258, %parallel_loop3A_357 : vector<16xi32>
          %parallel_loop3A_359 = tpu.vector_load_idx %arg7[%parallel_loop3A_358] : memref<16000xf32, #tpu.memory_space<vmem>>[vector<16xi32>], vector<16xf32>,
          %parallel_loop3A_360 = arith.addi %parallel_loop3A_261, %parallel_loop3A_357 : vector<16xi32>
          %parallel_loop3A_361 = tpu.vector_load_idx %arg7[%parallel_loop3A_360] : memref<16000xf32, #tpu.memory_space<vmem>>[vector<16xi32>], vector<16xf32>,
          %parallel_loop3A_362 = arith.mulf %parallel_loop3A_359, %parallel_loop3A_361 : vector<16xf32>
          %parallel_loop3A_363 = arith.addf %parallel_loop3A_315, %parallel_loop3A_362 : vector<16xf32>
          %parallel_loop3A_364 = arith.constant 1 : i32
          %parallel_loop3A_365 = vector.broadcast %parallel_loop3A_364 : i32 to vector<16xi32>
          %parallel_loop3A_366 = arith.addi %parallel_loop3A_357, %parallel_loop3A_365 : vector<16xi32>
          %parallel_loop3A_367 = arith.constant 15 : i32
          %parallel_loop3A_368 = vector.broadcast %parallel_loop3A_367 : i32 to vector<16xi32>
          %parallel_loop3A_369 = arith.andi %parallel_loop3A_366, %parallel_loop3A_368 : vector<16xi32>
          %parallel_loop3A_370 = arith.addi %parallel_loop3A_258, %parallel_loop3A_369 : vector<16xi32>
          %parallel_loop3A_371 = tpu.vector_load_idx %arg7[%parallel_loop3A_370] : memref<16000xf32, #tpu.memory_space<vmem>>[vector<16xi32>], vector<16xf32>,
          %parallel_loop3A_372 = arith.addi %parallel_loop3A_261, %parallel_loop3A_369 : vector<16xi32>
          %parallel_loop3A_373 = tpu.vector_load_idx %arg7[%parallel_loop3A_372] : memref<16000xf32, #tpu.memory_space<vmem>>[vector<16xi32>], vector<16xf32>,
          %parallel_loop3A_374 = arith.mulf %parallel_loop3A_371, %parallel_loop3A_373 : vector<16xf32>
          %parallel_loop3A_375 = arith.addf %parallel_loop3A_327, %parallel_loop3A_374 : vector<16xf32>
          %parallel_loop3A_376 = arith.constant 1 : i32
          %parallel_loop3A_377 = vector.broadcast %parallel_loop3A_376 : i32 to vector<16xi32>
          %parallel_loop3A_378 = arith.addi %parallel_loop3A_369, %parallel_loop3A_377 : vector<16xi32>
          %parallel_loop3A_379 = arith.constant 15 : i32
          %parallel_loop3A_380 = vector.broadcast %parallel_loop3A_379 : i32 to vector<16xi32>
          %parallel_loop3A_381 = arith.andi %parallel_loop3A_378, %parallel_loop3A_380 : vector<16xi32>
          %parallel_loop3A_382 = arith.addi %parallel_loop3A_258, %parallel_loop3A_381 : vector<16xi32>
          %parallel_loop3A_383 = tpu.vector_load_idx %arg7[%parallel_loop3A_382] : memref<16000xf32, #tpu.memory_space<vmem>>[vector<16xi32>], vector<16xf32>,
          %parallel_loop3A_384 = arith.addi %parallel_loop3A_261, %parallel_loop3A_381 : vector<16xi32>
          %parallel_loop3A_385 = tpu.vector_load_idx %arg7[%parallel_loop3A_384] : memref<16000xf32, #tpu.memory_space<vmem>>[vector<16xi32>], vector<16xf32>,
          %parallel_loop3A_386 = arith.mulf %parallel_loop3A_383, %parallel_loop3A_385 : vector<16xf32>
          %parallel_loop3A_387 = arith.addf %parallel_loop3A_339, %parallel_loop3A_386 : vector<16xf32>
          %parallel_loop3A_388 = arith.constant 1 : i32
          %parallel_loop3A_389 = vector.broadcast %parallel_loop3A_388 : i32 to vector<16xi32>
          %parallel_loop3A_390 = arith.addi %parallel_loop3A_381, %parallel_loop3A_389 : vector<16xi32>
          %parallel_loop3A_391 = arith.constant 15 : i32
          %parallel_loop3A_392 = vector.broadcast %parallel_loop3A_391 : i32 to vector<16xi32>
          %parallel_loop3A_393 = arith.andi %parallel_loop3A_390, %parallel_loop3A_392 : vector<16xi32>
          %parallel_loop3A_394 = arith.addi %parallel_loop3A_258, %parallel_loop3A_393 : vector<16xi32>
          %parallel_loop3A_395 = tpu.vector_load_idx %arg7[%parallel_loop3A_394] : memref<16000xf32, #tpu.memory_space<vmem>>[vector<16xi32>], vector<16xf32>,
          %parallel_loop3A_396 = arith.addi %parallel_loop3A_261, %parallel_loop3A_393 : vector<16xi32>
          %parallel_loop3A_397 = tpu.vector_load_idx %arg7[%parallel_loop3A_396] : memref<16000xf32, #tpu.memory_space<vmem>>[vector<16xi32>], vector<16xf32>,
          %parallel_loop3A_398 = arith.mulf %parallel_loop3A_395, %parallel_loop3A_397 : vector<16xf32>
          %parallel_loop3A_399 = arith.addf %parallel_loop3A_351, %parallel_loop3A_398 : vector<16xf32>
          %parallel_loop3A_400 = arith.constant 1 : i32
          %parallel_loop3A_401 = vector.broadcast %parallel_loop3A_400 : i32 to vector<16xi32>
          %parallel_loop3A_402 = arith.addi %parallel_loop3A_393, %parallel_loop3A_401 : vector<16xi32>
          %parallel_loop3A_403 = arith.constant 15 : i32
          %parallel_loop3A_404 = vector.broadcast %parallel_loop3A_403 : i32 to vector<16xi32>
          %parallel_loop3A_405 = arith.andi %parallel_loop3A_402, %parallel_loop3A_404 : vector<16xi32>
          %parallel_loop3A_406 = arith.addi %parallel_loop3A_258, %parallel_loop3A_405 : vector<16xi32>
          %parallel_loop3A_407 = tpu.vector_load_idx %arg7[%parallel_loop3A_406] : memref<16000xf32, #tpu.memory_space<vmem>>[vector<16xi32>], vector<16xf32>,
          %parallel_loop3A_408 = arith.addi %parallel_loop3A_261, %parallel_loop3A_405 : vector<16xi32>
          %parallel_loop3A_409 = tpu.vector_load_idx %arg7[%parallel_loop3A_408] : memref<16000xf32, #tpu.memory_space<vmem>>[vector<16xi32>], vector<16xf32>,
          %parallel_loop3A_410 = arith.mulf %parallel_loop3A_407, %parallel_loop3A_409 : vector<16xf32>
          %parallel_loop3A_411 = arith.addf %parallel_loop3A_363, %parallel_loop3A_410 : vector<16xf32>
          %parallel_loop3A_412 = arith.constant 1 : i32
          %parallel_loop3A_413 = vector.broadcast %parallel_loop3A_412 : i32 to vector<16xi32>
          %parallel_loop3A_414 = arith.addi %parallel_loop3A_405, %parallel_loop3A_413 : vector<16xi32>
          %parallel_loop3A_415 = arith.constant 15 : i32
          %parallel_loop3A_416 = vector.broadcast %parallel_loop3A_415 : i32 to vector<16xi32>
          %parallel_loop3A_417 = arith.andi %parallel_loop3A_414, %parallel_loop3A_416 : vector<16xi32>
          %parallel_loop3A_418 = arith.addi %parallel_loop3A_258, %parallel_loop3A_417 : vector<16xi32>
          %parallel_loop3A_419 = tpu.vector_load_idx %arg7[%parallel_loop3A_418] : memref<16000xf32, #tpu.memory_space<vmem>>[vector<16xi32>], vector<16xf32>,
          %parallel_loop3A_420 = arith.addi %parallel_loop3A_261, %parallel_loop3A_417 : vector<16xi32>
          %parallel_loop3A_421 = tpu.vector_load_idx %arg7[%parallel_loop3A_420] : memref<16000xf32, #tpu.memory_space<vmem>>[vector<16xi32>], vector<16xf32>,
          %parallel_loop3A_422 = arith.mulf %parallel_loop3A_419, %parallel_loop3A_421 : vector<16xf32>
          %parallel_loop3A_423 = arith.addf %parallel_loop3A_375, %parallel_loop3A_422 : vector<16xf32>
          %parallel_loop3A_424 = arith.constant 1 : i32
          %parallel_loop3A_425 = vector.broadcast %parallel_loop3A_424 : i32 to vector<16xi32>
          %parallel_loop3A_426 = arith.addi %parallel_loop3A_417, %parallel_loop3A_425 : vector<16xi32>
          %parallel_loop3A_427 = arith.constant 15 : i32
          %parallel_loop3A_428 = vector.broadcast %parallel_loop3A_427 : i32 to vector<16xi32>
          %parallel_loop3A_429 = arith.andi %parallel_loop3A_426, %parallel_loop3A_428 : vector<16xi32>
          %parallel_loop3A_430 = arith.addi %parallel_loop3A_258, %parallel_loop3A_429 : vector<16xi32>
          %parallel_loop3A_431 = tpu.vector_load_idx %arg7[%parallel_loop3A_430] : memref<16000xf32, #tpu.memory_space<vmem>>[vector<16xi32>], vector<16xf32>,
          %parallel_loop3A_432 = arith.addi %parallel_loop3A_261, %parallel_loop3A_429 : vector<16xi32>
          %parallel_loop3A_433 = tpu.vector_load_idx %arg7[%parallel_loop3A_432] : memref<16000xf32, #tpu.memory_space<vmem>>[vector<16xi32>], vector<16xf32>,
          %parallel_loop3A_434 = arith.mulf %parallel_loop3A_431, %parallel_loop3A_433 : vector<16xf32>
          %parallel_loop3A_435 = arith.addf %parallel_loop3A_387, %parallel_loop3A_434 : vector<16xf32>
          %parallel_loop3A_436 = arith.constant 1 : i32
          %parallel_loop3A_437 = vector.broadcast %parallel_loop3A_436 : i32 to vector<16xi32>
          %parallel_loop3A_438 = arith.addi %parallel_loop3A_429, %parallel_loop3A_437 : vector<16xi32>
          %parallel_loop3A_439 = arith.constant 15 : i32
          %parallel_loop3A_440 = vector.broadcast %parallel_loop3A_439 : i32 to vector<16xi32>
          %parallel_loop3A_441 = arith.andi %parallel_loop3A_438, %parallel_loop3A_440 : vector<16xi32>
          %parallel_loop3A_442 = arith.addi %parallel_loop3A_258, %parallel_loop3A_441 : vector<16xi32>
          %parallel_loop3A_443 = tpu.vector_load_idx %arg7[%parallel_loop3A_442] : memref<16000xf32, #tpu.memory_space<vmem>>[vector<16xi32>], vector<16xf32>,
          %parallel_loop3A_444 = arith.addi %parallel_loop3A_261, %parallel_loop3A_441 : vector<16xi32>
          %parallel_loop3A_445 = tpu.vector_load_idx %arg7[%parallel_loop3A_444] : memref<16000xf32, #tpu.memory_space<vmem>>[vector<16xi32>], vector<16xf32>,
          %parallel_loop3A_446 = arith.mulf %parallel_loop3A_443, %parallel_loop3A_445 : vector<16xf32>
          %parallel_loop3A_447 = arith.addf %parallel_loop3A_399, %parallel_loop3A_446 : vector<16xf32>
          %parallel_loop3A_448 = arith.constant 1 : i32
          %parallel_loop3A_449 = vector.broadcast %parallel_loop3A_448 : i32 to vector<16xi32>
          %parallel_loop3A_450 = arith.addi %parallel_loop3A_441, %parallel_loop3A_449 : vector<16xi32>
          %parallel_loop3A_451 = arith.constant 15 : i32
          %parallel_loop3A_452 = vector.broadcast %parallel_loop3A_451 : i32 to vector<16xi32>
          %parallel_loop3A_453 = arith.andi %parallel_loop3A_450, %parallel_loop3A_452 : vector<16xi32>
          %parallel_loop3A_454 = arith.addi %parallel_loop3A_258, %parallel_loop3A_453 : vector<16xi32>
          %parallel_loop3A_455 = tpu.vector_load_idx %arg7[%parallel_loop3A_454] : memref<16000xf32, #tpu.memory_space<vmem>>[vector<16xi32>], vector<16xf32>,
          %parallel_loop3A_456 = arith.addi %parallel_loop3A_261, %parallel_loop3A_453 : vector<16xi32>
          %parallel_loop3A_457 = tpu.vector_load_idx %arg7[%parallel_loop3A_456] : memref<16000xf32, #tpu.memory_space<vmem>>[vector<16xi32>], vector<16xf32>,
          %parallel_loop3A_458 = arith.mulf %parallel_loop3A_455, %parallel_loop3A_457 : vector<16xf32>
          %parallel_loop3A_459 = arith.addf %parallel_loop3A_411, %parallel_loop3A_458 : vector<16xf32>
          %parallel_loop3A_460 = arith.addf %parallel_loop3A_423, %parallel_loop3A_435 : vector<16xf32>
          %parallel_loop3A_461 = arith.addf %parallel_loop3A_447, %parallel_loop3A_459 : vector<16xf32>
          %parallel_loop3A_462 = arith.addf %parallel_loop3A_460, %parallel_loop3A_461 : vector<16xf32>
          %parallel_loop3A_463 = arith.constant 16 : i32
          %parallel_loop3A_464 = arith.muli %parallel_loop3A_242, %parallel_loop3A_463 : i32
          %parallel_loop3A_465 = arith.index_cast %parallel_loop3A_464 : i32 to index
          %parallel_loop3A_466 = tpu.vector_load %arg10[%parallel_loop3A_465] {strides = array<i32>} : memref<512xf32, #tpu.memory_space<vmem>>, vector<16xf32>,
          tpu.vector_store %arg10[%parallel_loop3A_465], %parallel_loop3A_462 {strides = array<i32>} : memref<512xf32, #tpu.memory_space<vmem>>, vector<16xf32>,
        } {sc.loop_unroll_factor = 2 : i64, sc.parallel_access}
        %dma_start3A_236 = arith.constant 0 : i32
        %dma_start3A_237 = tpu.memref_slice %arg13[%select_n3A_124, %select_n3A_108, %dma_start3A_236] : memref<16x26x512xf32, #tpu.memory_space<vmem_shared>> -> memref<1x1x512xf32, #tpu.memory_space<vmem_shared>>
        %dma_start3A_238 = tpu.memref_squeeze %dma_start3A_237 : memref<1x1x512xf32, #tpu.memory_space<vmem_shared>> -> memref<512xf32, #tpu.memory_space<vmem_shared>>
        %dma_start3A_239 = arith.constant 0 : i32
        %dma_start3A_240 = tpu.memref_slice %arg13[%select_n3A_124, %select_n3A_108, %dma_start3A_239] : memref<16x26x512xf32, #tpu.memory_space<vmem_shared>> -> memref<1x1x512xf32, #tpu.memory_space<vmem_shared>>
        %dma_start3A_241 = tpu.memref_squeeze %dma_start3A_240 : memref<1x1x512xf32, #tpu.memory_space<vmem_shared>> -> memref<512xf32, #tpu.memory_space<vmem_shared>>
        tpu.enqueue_dma source(%arg10 : memref<512xf32, #tpu.memory_space<vmem>>) target(%dma_start3A_241 : memref<512xf32, #tpu.memory_space<vmem_shared>>) target_semaphore(%arg16 : memref<!tpu.dma_semaphore, #tpu.memory_space<semaphore_mem>>)
      } else {
      }
      %scan3A_221 = arith.constant 0 : i32
      scf.yield %scan3A_221 : i32
    }
    %scan3A_51 = arith.constant 26 : i32
    %dma_wait3A_52 = arith.constant 0 : i32
    %dma_wait3A_53 = tpu.memref_slice %arg2[%dma_wait3A_52] : memref<425984xi32, #tpu.memory_space<hbm>> -> memref<512xi32, #tpu.memory_space<hbm>>
    %dma_wait3A_54 = arith.constant 0 : i32
    %dma_wait3A_55 = tpu.memref_slice %arg2[%dma_wait3A_54] : memref<425984xi32, #tpu.memory_space<hbm>> -> memref<512xi32, #tpu.memory_space<hbm>>
    tpu.wait_dma2 semaphore(%arg14 : memref<!tpu.dma_semaphore, #tpu.memory_space<semaphore_mem>>) src(%dma_wait3A_55 : memref<512xi32, #tpu.memory_space<hbm>>) dst(%arg5 : memref<512xi32, #tpu.memory_space<vmem>>)
    %dma_wait3A_56 = arith.constant 0 : i32
    %dma_wait3A_57 = arith.constant 0 : i32
    %dma_wait3A_58 = arith.constant 0 : i32
    %dma_wait3A_59 = tpu.memref_slice %arg13[%dma_wait3A_56, %dma_wait3A_57, %dma_wait3A_58] : memref<16x26x512xf32, #tpu.memory_space<vmem_shared>> -> memref<1x1x512xf32, #tpu.memory_space<vmem_shared>>
    %dma_wait3A_60 = tpu.memref_squeeze %dma_wait3A_59 : memref<1x1x512xf32, #tpu.memory_space<vmem_shared>> -> memref<512xf32, #tpu.memory_space<vmem_shared>>
    %dma_wait3A_61 = arith.constant 0 : i32
    %dma_wait3A_62 = tpu.memref_slice %arg13[%dma_wait3A_56, %dma_wait3A_57, %dma_wait3A_61] : memref<16x26x512xf32, #tpu.memory_space<vmem_shared>> -> memref<1x1x512xf32, #tpu.memory_space<vmem_shared>>
    %dma_wait3A_63 = tpu.memref_squeeze %dma_wait3A_62 : memref<1x1x512xf32, #tpu.memory_space<vmem_shared>> -> memref<512xf32, #tpu.memory_space<vmem_shared>>
    tpu.wait_dma2 semaphore(%arg16 : memref<!tpu.dma_semaphore, #tpu.memory_space<semaphore_mem>>) src(%arg9 : memref<512xf32, #tpu.memory_space<vmem>>) dst(%dma_wait3A_63 : memref<512xf32, #tpu.memory_space<vmem_shared>>)
    %dma_wait3A_64 = arith.constant 0 : i32
    %dma_wait3A_65 = arith.constant 0 : i32
    %dma_wait3A_66 = arith.constant 0 : i32
    %dma_wait3A_67 = tpu.memref_slice %arg13[%dma_wait3A_64, %dma_wait3A_65, %dma_wait3A_66] : memref<16x26x512xf32, #tpu.memory_space<vmem_shared>> -> memref<1x1x512xf32, #tpu.memory_space<vmem_shared>>
    %dma_wait3A_68 = tpu.memref_squeeze %dma_wait3A_67 : memref<1x1x512xf32, #tpu.memory_space<vmem_shared>> -> memref<512xf32, #tpu.memory_space<vmem_shared>>
    %dma_wait3A_69 = arith.constant 0 : i32
    %dma_wait3A_70 = tpu.memref_slice %arg13[%dma_wait3A_64, %dma_wait3A_65, %dma_wait3A_69] : memref<16x26x512xf32, #tpu.memory_space<vmem_shared>> -> memref<1x1x512xf32, #tpu.memory_space<vmem_shared>>
    %dma_wait3A_71 = tpu.memref_squeeze %dma_wait3A_70 : memref<1x1x512xf32, #tpu.memory_space<vmem_shared>> -> memref<512xf32, #tpu.memory_space<vmem_shared>>
    tpu.wait_dma2 semaphore(%arg16 : memref<!tpu.dma_semaphore, #tpu.memory_space<semaphore_mem>>) src(%arg10 : memref<512xf32, #tpu.memory_space<vmem>>) dst(%dma_wait3A_71 : memref<512xf32, #tpu.memory_space<vmem_shared>>)
    %barrier3A = arith.constant 0 : index
    tpu.barrier barrier_id(%barrier3A)
    "tpu.region"() ({
      %run_scoped3A = tpu.sem_alloc : memref<!tpu.dma_semaphore, #tpu.memory_space<semaphore_mem>>
      %dma_start3A_82 = arith.constant 0 : i32
      %dma_start3A_83 = arith.constant 0 : i32
      %dma_start3A_84 = tpu.memref_slice %arg13[%arg1, %dma_start3A_82, %dma_start3A_83] : memref<16x26x512xf32, #tpu.memory_space<vmem_shared>> -> memref<1x26x512xf32, #tpu.memory_space<vmem_shared>>
      %dma_start3A_85 = tpu.memref_squeeze %dma_start3A_84 : memref<1x26x512xf32, #tpu.memory_space<vmem_shared>> -> memref<26x512xf32, #tpu.memory_space<vmem_shared>>
      %dma_start3A_86 = arith.constant 0 : i32
      %dma_start3A_87 = arith.constant 0 : i32
      %dma_start3A_88 = tpu.memref_slice %arg13[%arg1, %dma_start3A_86, %dma_start3A_87] : memref<16x26x512xf32, #tpu.memory_space<vmem_shared>> -> memref<1x26x512xf32, #tpu.memory_space<vmem_shared>>
      %dma_start3A_89 = tpu.memref_squeeze %dma_start3A_88 : memref<1x26x512xf32, #tpu.memory_space<vmem_shared>> -> memref<26x512xf32, #tpu.memory_space<vmem_shared>>
      tpu.enqueue_dma source(%dma_start3A_89 : memref<26x512xf32, #tpu.memory_space<vmem_shared>>) target(%arg11 : memref<26x512xf32, #tpu.memory_space<vmem>>) target_semaphore(%run_scoped3A : memref<!tpu.dma_semaphore, #tpu.memory_space<semaphore_mem>>)
      %dma_wait3A_90 = arith.constant 0 : i32
      %dma_wait3A_91 = arith.constant 0 : i32
      %dma_wait3A_92 = tpu.memref_slice %arg13[%arg1, %dma_wait3A_90, %dma_wait3A_91] : memref<16x26x512xf32, #tpu.memory_space<vmem_shared>> -> memref<1x26x512xf32, #tpu.memory_space<vmem_shared>>
      %dma_wait3A_93 = tpu.memref_squeeze %dma_wait3A_92 : memref<1x26x512xf32, #tpu.memory_space<vmem_shared>> -> memref<26x512xf32, #tpu.memory_space<vmem_shared>>
      %dma_wait3A_94 = arith.constant 0 : i32
      %dma_wait3A_95 = arith.constant 0 : i32
      %dma_wait3A_96 = tpu.memref_slice %arg13[%arg1, %dma_wait3A_94, %dma_wait3A_95] : memref<16x26x512xf32, #tpu.memory_space<vmem_shared>> -> memref<1x26x512xf32, #tpu.memory_space<vmem_shared>>
      %dma_wait3A_97 = tpu.memref_squeeze %dma_wait3A_96 : memref<1x26x512xf32, #tpu.memory_space<vmem_shared>> -> memref<26x512xf32, #tpu.memory_space<vmem_shared>>
      tpu.wait_dma2 semaphore(%run_scoped3A : memref<!tpu.dma_semaphore, #tpu.memory_space<semaphore_mem>>) src(%dma_wait3A_97 : memref<26x512xf32, #tpu.memory_space<vmem_shared>>) dst(%arg11 : memref<26x512xf32, #tpu.memory_space<vmem>>)
      tpu.yield
    }) : () -> ()
    %scan3A_72 = arith.constant 0 : i32
    %scan3A_73 = arith.constant 0 : i32
    %scan3A_74 = arith.constant 32 : i32
    %scan3A_75 = arith.addi %scan3A_73, %scan3A_74 : i32
    %scan3A_76 = arith.constant 1 : i32
    %scan3A_77 = scf.for %scan3A_82 = %scan3A_73 to %scan3A_75 step %scan3A_76 iter_args(%scan3A_83 = %scan3A_72) -> (i32)  : i32 {
      %mul3A_84 = arith.constant 16 : i32
      %mul3A_85 = arith.muli %scan3A_82, %mul3A_84 : i32
      %get3A = arith.constant 0 : i32
      %get3A_86 = arith.index_cast %get3A : i32 to index
      %get3A_87 = arith.index_cast %mul3A_85 : i32 to index
      %get3A_88 = tpu.vector_load %arg11[%get3A_86, %get3A_87] {strides = array<i32>} : memref<26x512xf32, #tpu.memory_space<vmem>>, vector<16xf32>,
      %get3A_89 = arith.constant 1 : i32
      %get3A_90 = arith.index_cast %get3A_89 : i32 to index
      %get3A_91 = arith.index_cast %mul3A_85 : i32 to index
      %get3A_92 = tpu.vector_load %arg11[%get3A_90, %get3A_91] {strides = array<i32>} : memref<26x512xf32, #tpu.memory_space<vmem>>, vector<16xf32>,
      %get3A_93 = arith.constant 2 : i32
      %get3A_94 = arith.index_cast %get3A_93 : i32 to index
      %get3A_95 = arith.index_cast %mul3A_85 : i32 to index
      %get3A_96 = tpu.vector_load %arg11[%get3A_94, %get3A_95] {strides = array<i32>} : memref<26x512xf32, #tpu.memory_space<vmem>>, vector<16xf32>,
      %get3A_97 = arith.constant 3 : i32
      %get3A_98 = arith.index_cast %get3A_97 : i32 to index
      %get3A_99 = arith.index_cast %mul3A_85 : i32 to index
      %get3A_100 = tpu.vector_load %arg11[%get3A_98, %get3A_99] {strides = array<i32>} : memref<26x512xf32, #tpu.memory_space<vmem>>, vector<16xf32>,
      %get3A_101 = arith.constant 4 : i32
      %get3A_102 = arith.index_cast %get3A_101 : i32 to index
      %get3A_103 = arith.index_cast %mul3A_85 : i32 to index
      %get3A_104 = tpu.vector_load %arg11[%get3A_102, %get3A_103] {strides = array<i32>} : memref<26x512xf32, #tpu.memory_space<vmem>>, vector<16xf32>,
      %add3A_105 = arith.addf %get3A_88, %get3A_104 : vector<16xf32>
      %get3A_106 = arith.constant 5 : i32
      %get3A_107 = arith.index_cast %get3A_106 : i32 to index
      %get3A_108 = arith.index_cast %mul3A_85 : i32 to index
      %get3A_109 = tpu.vector_load %arg11[%get3A_107, %get3A_108] {strides = array<i32>} : memref<26x512xf32, #tpu.memory_space<vmem>>, vector<16xf32>,
      %add3A_110 = arith.addf %get3A_92, %get3A_109 : vector<16xf32>
      %get3A_111 = arith.constant 6 : i32
      %get3A_112 = arith.index_cast %get3A_111 : i32 to index
      %get3A_113 = arith.index_cast %mul3A_85 : i32 to index
      %get3A_114 = tpu.vector_load %arg11[%get3A_112, %get3A_113] {strides = array<i32>} : memref<26x512xf32, #tpu.memory_space<vmem>>, vector<16xf32>,
      %add3A_115 = arith.addf %get3A_96, %get3A_114 : vector<16xf32>
      %get3A_116 = arith.constant 7 : i32
      %get3A_117 = arith.index_cast %get3A_116 : i32 to index
      %get3A_118 = arith.index_cast %mul3A_85 : i32 to index
      %get3A_119 = tpu.vector_load %arg11[%get3A_117, %get3A_118] {strides = array<i32>} : memref<26x512xf32, #tpu.memory_space<vmem>>, vector<16xf32>,
      %add3A_120 = arith.addf %get3A_100, %get3A_119 : vector<16xf32>
      %get3A_121 = arith.constant 8 : i32
      %get3A_122 = arith.index_cast %get3A_121 : i32 to index
      %get3A_123 = arith.index_cast %mul3A_85 : i32 to index
      %get3A_124 = tpu.vector_load %arg11[%get3A_122, %get3A_123] {strides = array<i32>} : memref<26x512xf32, #tpu.memory_space<vmem>>, vector<16xf32>,
      %add3A_125 = arith.addf %add3A_105, %get3A_124 : vector<16xf32>
      %get3A_126 = arith.constant 9 : i32
      %get3A_127 = arith.index_cast %get3A_126 : i32 to index
      %get3A_128 = arith.index_cast %mul3A_85 : i32 to index
      %get3A_129 = tpu.vector_load %arg11[%get3A_127, %get3A_128] {strides = array<i32>} : memref<26x512xf32, #tpu.memory_space<vmem>>, vector<16xf32>,
      %add3A_130 = arith.addf %add3A_110, %get3A_129 : vector<16xf32>
      %get3A_131 = arith.constant 10 : i32
      %get3A_132 = arith.index_cast %get3A_131 : i32 to index
      %get3A_133 = arith.index_cast %mul3A_85 : i32 to index
      %get3A_134 = tpu.vector_load %arg11[%get3A_132, %get3A_133] {strides = array<i32>} : memref<26x512xf32, #tpu.memory_space<vmem>>, vector<16xf32>,
      %add3A_135 = arith.addf %add3A_115, %get3A_134 : vector<16xf32>
      %get3A_136 = arith.constant 11 : i32
      %get3A_137 = arith.index_cast %get3A_136 : i32 to index
      %get3A_138 = arith.index_cast %mul3A_85 : i32 to index
      %get3A_139 = tpu.vector_load %arg11[%get3A_137, %get3A_138] {strides = array<i32>} : memref<26x512xf32, #tpu.memory_space<vmem>>, vector<16xf32>,
      %add3A_140 = arith.addf %add3A_120, %get3A_139 : vector<16xf32>
      %get3A_141 = arith.constant 12 : i32
      %get3A_142 = arith.index_cast %get3A_141 : i32 to index
      %get3A_143 = arith.index_cast %mul3A_85 : i32 to index
      %get3A_144 = tpu.vector_load %arg11[%get3A_142, %get3A_143] {strides = array<i32>} : memref<26x512xf32, #tpu.memory_space<vmem>>, vector<16xf32>,
      %add3A_145 = arith.addf %add3A_125, %get3A_144 : vector<16xf32>
      %get3A_146 = arith.constant 13 : i32
      %get3A_147 = arith.index_cast %get3A_146 : i32 to index
      %get3A_148 = arith.index_cast %mul3A_85 : i32 to index
      %get3A_149 = tpu.vector_load %arg11[%get3A_147, %get3A_148] {strides = array<i32>} : memref<26x512xf32, #tpu.memory_space<vmem>>, vector<16xf32>,
      %add3A_150 = arith.addf %add3A_130, %get3A_149 : vector<16xf32>
      %get3A_151 = arith.constant 14 : i32
      %get3A_152 = arith.index_cast %get3A_151 : i32 to index
      %get3A_153 = arith.index_cast %mul3A_85 : i32 to index
      %get3A_154 = tpu.vector_load %arg11[%get3A_152, %get3A_153] {strides = array<i32>} : memref<26x512xf32, #tpu.memory_space<vmem>>, vector<16xf32>,
      %add3A_155 = arith.addf %add3A_135, %get3A_154 : vector<16xf32>
      %get3A_156 = arith.constant 15 : i32
      %get3A_157 = arith.index_cast %get3A_156 : i32 to index
      %get3A_158 = arith.index_cast %mul3A_85 : i32 to index
      %get3A_159 = tpu.vector_load %arg11[%get3A_157, %get3A_158] {strides = array<i32>} : memref<26x512xf32, #tpu.memory_space<vmem>>, vector<16xf32>,
      %add3A_160 = arith.addf %add3A_140, %get3A_159 : vector<16xf32>
      %get3A_161 = arith.constant 16 : i32
      %get3A_162 = arith.index_cast %get3A_161 : i32 to index
      %get3A_163 = arith.index_cast %mul3A_85 : i32 to index
      %get3A_164 = tpu.vector_load %arg11[%get3A_162, %get3A_163] {strides = array<i32>} : memref<26x512xf32, #tpu.memory_space<vmem>>, vector<16xf32>,
      %add3A_165 = arith.addf %add3A_145, %get3A_164 : vector<16xf32>
      %get3A_166 = arith.constant 17 : i32
      %get3A_167 = arith.index_cast %get3A_166 : i32 to index
      %get3A_168 = arith.index_cast %mul3A_85 : i32 to index
      %get3A_169 = tpu.vector_load %arg11[%get3A_167, %get3A_168] {strides = array<i32>} : memref<26x512xf32, #tpu.memory_space<vmem>>, vector<16xf32>,
      %add3A_170 = arith.addf %add3A_150, %get3A_169 : vector<16xf32>
      %get3A_171 = arith.constant 18 : i32
      %get3A_172 = arith.index_cast %get3A_171 : i32 to index
      %get3A_173 = arith.index_cast %mul3A_85 : i32 to index
      %get3A_174 = tpu.vector_load %arg11[%get3A_172, %get3A_173] {strides = array<i32>} : memref<26x512xf32, #tpu.memory_space<vmem>>, vector<16xf32>,
      %add3A_175 = arith.addf %add3A_155, %get3A_174 : vector<16xf32>
      %get3A_176 = arith.constant 19 : i32
      %get3A_177 = arith.index_cast %get3A_176 : i32 to index
      %get3A_178 = arith.index_cast %mul3A_85 : i32 to index
      %get3A_179 = tpu.vector_load %arg11[%get3A_177, %get3A_178] {strides = array<i32>} : memref<26x512xf32, #tpu.memory_space<vmem>>, vector<16xf32>,
      %add3A_180 = arith.addf %add3A_160, %get3A_179 : vector<16xf32>
      %get3A_181 = arith.constant 20 : i32
      %get3A_182 = arith.index_cast %get3A_181 : i32 to index
      %get3A_183 = arith.index_cast %mul3A_85 : i32 to index
      %get3A_184 = tpu.vector_load %arg11[%get3A_182, %get3A_183] {strides = array<i32>} : memref<26x512xf32, #tpu.memory_space<vmem>>, vector<16xf32>,
      %add3A_185 = arith.addf %add3A_165, %get3A_184 : vector<16xf32>
      %get3A_186 = arith.constant 21 : i32
      %get3A_187 = arith.index_cast %get3A_186 : i32 to index
      %get3A_188 = arith.index_cast %mul3A_85 : i32 to index
      %get3A_189 = tpu.vector_load %arg11[%get3A_187, %get3A_188] {strides = array<i32>} : memref<26x512xf32, #tpu.memory_space<vmem>>, vector<16xf32>,
      %add3A_190 = arith.addf %add3A_170, %get3A_189 : vector<16xf32>
      %get3A_191 = arith.constant 22 : i32
      %get3A_192 = arith.index_cast %get3A_191 : i32 to index
      %get3A_193 = arith.index_cast %mul3A_85 : i32 to index
      %get3A_194 = tpu.vector_load %arg11[%get3A_192, %get3A_193] {strides = array<i32>} : memref<26x512xf32, #tpu.memory_space<vmem>>, vector<16xf32>,
      %add3A_195 = arith.addf %add3A_175, %get3A_194 : vector<16xf32>
      %get3A_196 = arith.constant 23 : i32
      %get3A_197 = arith.index_cast %get3A_196 : i32 to index
      %get3A_198 = arith.index_cast %mul3A_85 : i32 to index
      %get3A_199 = tpu.vector_load %arg11[%get3A_197, %get3A_198] {strides = array<i32>} : memref<26x512xf32, #tpu.memory_space<vmem>>, vector<16xf32>,
      %add3A_200 = arith.addf %add3A_180, %get3A_199 : vector<16xf32>
      %get3A_201 = arith.constant 24 : i32
      %get3A_202 = arith.index_cast %get3A_201 : i32 to index
      %get3A_203 = arith.index_cast %mul3A_85 : i32 to index
      %get3A_204 = tpu.vector_load %arg11[%get3A_202, %get3A_203] {strides = array<i32>} : memref<26x512xf32, #tpu.memory_space<vmem>>, vector<16xf32>,
      %add3A_205 = arith.addf %add3A_185, %get3A_204 : vector<16xf32>
      %get3A_206 = arith.constant 25 : i32
      %get3A_207 = arith.index_cast %get3A_206 : i32 to index
      %get3A_208 = arith.index_cast %mul3A_85 : i32 to index
      %get3A_209 = tpu.vector_load %arg11[%get3A_207, %get3A_208] {strides = array<i32>} : memref<26x512xf32, #tpu.memory_space<vmem>>, vector<16xf32>,
      %add3A_210 = arith.addf %add3A_190, %get3A_209 : vector<16xf32>
      %add3A_211 = arith.addf %add3A_205, %add3A_210 : vector<16xf32>
      %add3A_212 = arith.addf %add3A_195, %add3A_200 : vector<16xf32>
      %add3A_213 = arith.addf %add3A_211, %add3A_212 : vector<16xf32>
      %swap3A = arith.index_cast %mul3A_85 : i32 to index
      %swap3A_214 = tpu.vector_load %arg12[%swap3A] {strides = array<i32>} : memref<512xf32, #tpu.memory_space<vmem>>, vector<16xf32>,
      tpu.vector_store %arg12[%swap3A], %add3A_213 {strides = array<i32>} : memref<512xf32, #tpu.memory_space<vmem>>, vector<16xf32>,
      %scan3A_215 = arith.constant 0 : i32
      scf.yield %scan3A_215 : i32
    }
    %scan3A_78 = arith.constant 32 : i32
    %mul3A_79 = arith.constant 512 : i32
    %mul3A_80 = arith.muli %arg1, %mul3A_79 : i32
    %add3A_81 = arith.addi %mul3A_0, %mul3A_80 : i32
    "tpu.region"() ({
      %run_scoped3A = tpu.sem_alloc : memref<!tpu.dma_semaphore, #tpu.memory_space<semaphore_mem>>
      %dma_start3A_82 = tpu.memref_slice %arg4[%add3A_81] : memref<16384xf32, #tpu.memory_space<hbm>> -> memref<512xf32, #tpu.memory_space<hbm>>
      %dma_start3A_83 = tpu.memref_slice %arg4[%add3A_81] : memref<16384xf32, #tpu.memory_space<hbm>> -> memref<512xf32, #tpu.memory_space<hbm>>
      tpu.enqueue_dma source(%arg12 : memref<512xf32, #tpu.memory_space<vmem>>) target(%dma_start3A_83 : memref<512xf32, #tpu.memory_space<hbm>>) target_semaphore(%run_scoped3A : memref<!tpu.dma_semaphore, #tpu.memory_space<semaphore_mem>>)
      %dma_wait3A_84 = tpu.memref_slice %arg4[%add3A_81] : memref<16384xf32, #tpu.memory_space<hbm>> -> memref<512xf32, #tpu.memory_space<hbm>>
      %dma_wait3A_85 = tpu.memref_slice %arg4[%add3A_81] : memref<16384xf32, #tpu.memory_space<hbm>> -> memref<512xf32, #tpu.memory_space<hbm>>
      tpu.wait_dma2 semaphore(%run_scoped3A : memref<!tpu.dma_semaphore, #tpu.memory_space<semaphore_mem>>) src(%arg12 : memref<512xf32, #tpu.memory_space<vmem>>) dst(%dma_wait3A_85 : memref<512xf32, #tpu.memory_space<hbm>>)
      tpu.yield
    }) : () -> ()
    return
  }
}

</mosaic_0001>

<sc_bundles>
// kernel: kernel.3.cloned.1.call-start
scs
__scs_entry_jumppad:
0x0: {  	(pc) =	sbr.rel $0x88, $3  }
0x1: {  	(tag) =	ssettag $0x0;
	lr =	simm.s32 $0x1  }
0x2: {  	[smem:$0x3F9D] =	sst lr;
	_ =	strace $0xD0000000  }
0x3: {  	_ = 	snop  }
0x4: {  	_ = 	snop  }
0x5: {  	_ = 	snop  }
0x6: {  	_ = 	snop  }
0x7: {  	_ = 	snop  }
__scs_overlays_trampoline_lowered:
0x8: {  	[smem:$0x3FAC] =	sst s0  }
0x9: {  	[smem:$0x3FAD] =	sst s1  }
0xa: {  	[smem:$0x3FAE] =	sst s2  }
0xb: {  	[smem:$0x3FAF] =	sst s3  }
0xc: {  	[smem:$0x3FB0] =	sst s4  }
0xd: {  	[smem:$0x3FB1] =	sst s5  }
0xe: {  	[smem:$0x3FB2] =	sst s6  }
0xf: {  	[smem:$0x3FB3] =	sst s7  }
0x10: {  	[smem:$0x3FB4] =	sst s8  }
0x11: {  	[smem:$0x3FB5] =	sst s9;
	s0 =	simm.s32 @!p0 $0x0  }
0x12: {  	s1 =	sld [smem:$0x3F9B];
	s0 =	simm.s32 @p0 $0x1  }
0x13: {  	[smem:$0x3FB6] =	sst s0;
	s0 =	simm.s32 @!p1 $0x0  }
0x14: {  	s2 =	sld [smem:$0x3F9A];
	s0 =	simm.s32 @p1 $0x1  }
0x15: {  	[smem:$0x3FB7] =	sst s0;
	s0 =	simm.s32 @!p2 $0x0  }
0x16: {  	s3 =	sld [smem:$0x3FDB];
	s0 =	simm.s32 @p2 $0x1  }
0x17: {  	s4 =	simm.s32 $0x1BF5;
	[smem:$0x3FB9] =	sst s0  }
0x18: {  	s0 =	sld [smem:$0x3F9C];
	_ =	swait.ge [sflag:s4], $0x0  }
0x19: {  	s7 =	sld [smem:$0x3F9D]  }
0x1a: {  	s8 =	sadd.s32 $0xFFFFE003, lr  }
0x1b: {  	s9 =	sadd.s32 $0xFFFFFEF7, lr;
	s5 =	simm.s32 $0xFFFFFFFF;
	p2 =	slt.u32 s8, $0xFFFFF086  }
0x1c: {  	p1 =	slt.u32 s9, $0xF7A;
	s5 =	simm.s32 @!p2 $0x0  }
0x1d: {  	s5 =	simm.s32 @p1 $0x1;
	p0 =	seq.s32 s7, s2  }
0x1e: {  	s7 =	smul.u32 @!p0 $0xF7A, s2;
	p2 =	seq.s32 @!p0 s5, $0x0  }
0x1f: {  	s9 =	smul.u32 $0xF7A, s1;
	s8 =	simm.s32 @!p0 $0x1BF5;
	p2 =	por !p2, p0  }
0x20: {  	[sflag:s8] =	ssyncset.s32 @!p0 $0xFFFFF086;
	s6 =	sadd.s32 @!p0 s3, s7;
	s7 =	simm.s32 @!p0 $0x108  }
0x21: {  	s3 =	sadd.s32 s3, s9;
	s6 =	sadd.s32 @!p0 $0x88, s6;
	s7 =	simm.s32 @p2 $0x1082  }
0x22: {  	[simem:s7], [sflag:s8] =	dma.local @!p0 [hbm:s6], $0xF7A  }
0x23: {  	s9 =	sor.u32 $0xD0000000, s2;
	s6 =	simm.s32 $0x108;
	_ =	swait.ge @!p0 [sflag:s8], $0x0  }
0x24: {  	s3 =	sadd.s32 $0x88, s3;
	s6 =	simm.s32 @!p1 $0x1082;
	[sflag:s4] =	ssyncset.s32 $0xFFFFF086  }
0x25: {  	[simem:s6], [sflag:s4] =	dma.local [hbm:s3], $0xF7A  }
0x26: {  	[smem:$0x3F9D] =	sst s1;
	(tag) =	ssettag s2;
	_ =	strace s9  }
0x27: {  	s1 =	sld [smem:$0x3FAD]  }
0x28: {  	s2 =	sld [smem:$0x3FAE]  }
0x29: {  	s4 =	sld [smem:$0x3FB0]  }
0x2a: {  	p0 =	seq.s32 s5, $0x0;
	s5 =	sld [smem:$0x3FB1]  }
0x2b: {  	s6 =	sld [smem:$0x3FB2]  }
0x2c: {  	s7 =	sld [smem:$0x3FB3]  }
0x2d: {  	s3 =	simm.s32 $0x108;
	s8 =	sld [smem:$0x3FB4]  }
0x2e: {  	s3 =	simm.s32 @!p0 $0x1082;
	s9 =	sld [smem:$0x3FB5]  }
0x2f: {  	lr =	sadd.s32 s0, s3;
	s0 =	sld [smem:$0x3FAC]  }
0x30: {  	s3 =	sld [smem:$0x3FAF]  }
0x31: {  	[smem:$0x3FB8] =	sst s10  }
0x32: {  	s10 =	sld [smem:$0x3FB6];
	_ =	sdelay $0x3  }
0x33: {  	p0 =	seq.s32 s10, $0x1;
	s10 =	sld [smem:$0x3FB8];
	_ =	sdelay $0x3  }
0x34: {  	[smem:$0x3FB8] =	sst s10  }
0x35: {  	s10 =	sld [smem:$0x3FB7];
	_ =	sdelay $0x3  }
0x36: {  	p1 =	seq.s32 s10, $0x1;
	s10 =	sld [smem:$0x3FB8];
	_ =	sdelay $0x3  }
0x37: {  	[smem:$0x3FB8] =	sst s10  }
0x38: {  	s10 =	sld [smem:$0x3FB9]  }
0x39: {  	_ = 	snop;
	(pc) =	sbr.ind lr, $3  }
0x3a: {  	_ = 	snop  }
0x3b: {  	_ = 	snop  }
0x3c: {  	p2 =	seq.s32 s10, $0x1;
	s10 =	sld [smem:$0x3FB8]  }
0x3d: {  	_ =	shalt  }
0x3e: {  	_ =	shalt  }
0x3f: {  	_ =	shalt  }
0x40: {  	_ =	shalt  }
0x41: {  	_ =	shalt  }
0x42: {  	_ =	shalt  }
0x43: {  	_ =	shalt  }
0x44: {  	_ =	shalt  }
0x45: {  	_ =	shalt  }
0x46: {  	_ =	shalt  }
0x47: {  	_ =	shalt  }
0x48: {  	_ =	shalt  }
0x49: {  	_ =	shalt  }
0x4a: {  	_ =	shalt  }
0x4b: {  	_ =	shalt  }
0x4c: {  	_ =	shalt  }
0x4d: {  	_ =	shalt  }
0x4e: {  	_ =	shalt  }
0x4f: {  	_ =	shalt  }
0x50: {  	_ =	shalt  }
0x51: {  	_ =	shalt  }
0x52: {  	_ =	shalt  }
0x53: {  	_ =	shalt  }
0x54: {  	_ =	shalt  }
0x55: {  	_ =	shalt  }
0x56: {  	_ =	shalt  }
0x57: {  	_ =	shalt  }
0x58: {  	_ =	shalt  }
0x59: {  	_ =	shalt  }
0x5a: {  	_ =	shalt  }
0x5b: {  	_ =	shalt  }
0x5c: {  	_ =	shalt  }
0x5d: {  	_ =	shalt  }
0x5e: {  	_ =	shalt  }
0x5f: {  	_ =	shalt  }
0x60: {  	_ =	shalt  }
0x61: {  	_ =	shalt  }
0x62: {  	_ =	shalt  }
0x63: {  	_ =	shalt  }
0x64: {  	_ =	shalt  }
0x65: {  	_ =	shalt  }
0x66: {  	_ =	shalt  }
0x67: {  	_ =	shalt  }
0x68: {  	_ =	shalt  }
0x69: {  	_ =	shalt  }
0x6a: {  	_ =	shalt  }
0x6b: {  	_ =	shalt  }
0x6c: {  	_ =	shalt  }
0x6d: {  	_ =	shalt  }
0x6e: {  	_ =	shalt  }
0x6f: {  	_ =	shalt  }
0x70: {  	_ =	shalt  }
0x71: {  	_ =	shalt  }
0x72: {  	_ =	shalt  }
0x73: {  	_ =	shalt  }
0x74: {  	_ =	shalt  }
0x75: {  	_ =	shalt  }
0x76: {  	_ =	shalt  }
0x77: {  	_ =	shalt  }
0x78: {  	_ =	shalt  }
0x79: {  	_ =	shalt  }
0x7a: {  	_ =	shalt  }
0x7b: {  	_ =	shalt  }
0x7c: {  	_ =	shalt  }
0x7d: {  	_ =	shalt  }
0x7e: {  	_ =	shalt  }
0x7f: {  	_ =	shalt  }
0x80: {  	_ =	shalt  }
0x81: {  	_ =	shalt  }
0x82: {  	_ =	shalt  }
0x83: {  	_ =	shalt  }
0x84: {  	_ =	shalt  }
0x85: {  	_ =	shalt  }
0x86: {  	_ =	shalt  }
0x87: {  	_ =	shalt  }
.Lfunc_end0:
.L_simem_size_0:
called_computation_lowered:
.L_overlay_start_0:
0x88: {  	s2 =	sld [smem:$0x3FD9]  }
0x89: {  	s3 =	sld [smem:$0x3FFE];
	_ =	sdelay $0x1  }
0x8a: {  	s1 =	srdreg.scid  }
0x8b: {  	s0 =	sand.u32 $0x1, s1  }
0x8c: {  	s17 =	sshll.u32 s0, $0xA;
	s2 =	sadd.s32 s3, s2  }
0x8d: {  	s2 =	sadd.s32 s2, s17  }
0x8e: {  	[smem:$0x3FC4] =	sst s2  }
0x8f: {  	_ = 	snop  }
0x90: {  	s2 =	sld [smem:$0x3FD0];
	(tm) =	ssettm $0x1  }
0x91: {  	s18 =	sld [smem:$0x3FFB];
	_ =	sdelay $0x3  }
0x92: {  	_ =	strace s18  }
0x93: {  	s3 =	sld [smem:$0x3FFC];
	_ =	sdelay $0x3  }
0x94: {  	_ =	strace s3  }
0x95: {  	s3 =	sld [smem:$0x3FFD];
	_ =	sdelay $0x3  }
0x96: {  	_ =	strace s3  }
0x97: {  	_ =	strace $0x8FFFFFFF  }
0x98: {  	s19 =	sld [smem:$0x3FDB];
	_ =	sdelay $0x1  }
0x99: {  	s4 =	simm.s32 $_scs_section_size  }
0x9a: {  	s5 =	simm.s32 $_size__tile_overlayer_lowered;
	s6 =	simm.s32 $_tile_overlayer_lowered  }
0x9b: {  	s22 =	simm.s32 $0x1BFF;
	s21 =	sshll.u32 s6, $0x1;
	s3 =	sadd.s32 s4, s19  }
0x9c: {  	s7 =	simm.s32 $0x0;
	s20 =	sshll.u32 s5, $0x1;
	s5 =	sadd.s32 s21, s3  }
0x9d: {  	[timem:s7], [sflag:s22] =	dma.local [hbm:s5], s20  }
0x9e: {  	_ =	swait.ge [sflag:s22], s20  }
0x9f: {  	s4 =	ssub.s32 $0x0, s20;
	[sflag:s22] =	ssyncset.done $0x0  }
0xa0: {  	[sflag:s22] =	ssyncadd.s32 s4;
	_ =	sdelay $0x1  }
0xa1: {  	s23 =	simm.s32 $0x1B8B  }
0xa2: {  	_ =	swait.ge [sflag:s23], $0x1  }
0xa3: {  	[sflag:s23] =	ssyncset.done $0x0  }
0xa4: {  	s25 =	simm.s32 $0x1B8E;
	s24 =	sld [smem:$0x3FFE];
	[sflag:s23] =	ssyncadd.s32 $0xFFFFFFFF  }
0xa5: {  	s26 =	simm.s32 $execute0_lowered;
	[smem:$0x3FD2] =	sst s25  }
0xa6: {  	s5 =	sshll.u32 s26, $0x1;
	_ =	strace $0x80000046;
	[dreg:$0x1] =	wrdreg $0xFFFFFFFF  }
0xa7: {  	s28 =	simm.s32 $_size_execute0_lowered;
	s3 =	sadd.s32 s3, s5;
	[dreg:$0x0] =	wrdreg $0x0  }
0xa8: {  	s5 =	sshll.u32 s28, $0x1;
	[dreg:$0x2] =	wrdreg s3  }
0xa9: {  	[dreg:$0x3] =	wrdreg s5  }
0xaa: {  	[dreg:$0x4] =	wrdreg $0xC0  }
0xab: {  	_ =	task [dreg:s7], $0x5FFFF  }
0xac: {  	[dreg:$0x1] =	wrdreg $0xFFFFFFFF  }
0xad: {  	[dreg:$0x0] =	wrdreg $0x60  }
0xae: {  	[dreg:$0x2] =	wrdreg s24  }
0xaf: {  	[dreg:$0x3] =	wrdreg s2  }
0xb0: {  	[dreg:$0x4] =	wrdreg $0xE2100  }
0xb1: {  	[dreg:$0x5] =	wrdreg $0x9  }
0xb2: {  	_ =	task.clear_ibuf [dreg:s7], $0x6FFFF;
	_ =	strace $0x90000046  }
0xb3: {  	s29 =	simm.s32 $0x9;
	_ =	strace $0x80000048  }
0xb4: {  	_ =	swait.ge [sflag:s29], $0x1  }
0xb5: {  	[sflag:s29] =	ssyncadd.s32 $0xFFFFFFFF  }
0xb6: {  	_ =	strace $0x90000048  }
0xb7: {  	_ =	sfence  }
0xb8: {  	s30 =	sld [smem:$0x0];
	_ =	sdelay $0x2  }
0xb9: {  	s31 =	sshll.u32 s1, $0xD;
	s1 =	sshrl.u32 s1, $0x2  }
0xba: {  	s3 =	sand.u32 $0x4000, s31;
	s1 =	sadd.s32 s1, s30  }
0xbb: {  	s0 =	sor.u32 s3, s0;
	s1 =	sshll.u32 s1, $0x11  }
0xbc: {  	s0 =	sor.u32 s1, s0  }
0xbd: {  	s0 =	sadd.s32 $0x8F2B, s0  }
0xbe: {  	[sflag:s0] =	ssyncadd.remote.s32 $0x1  }
0xbf: {  	_ =	sfence.sel $0xFFFF  }
0xc0: {  	[dreg:$0x0] =	wrdreg $0xFFFFFFFF;
	(pc) =	sbr.abs _section_cstart, $3  }
0xc1: {  	[dreg:$0x1] =	wrdreg $0xFFFFFFFF  }
0xc2: {  	_ =	task.clear_ibuf [dreg:s7], $0x2FFFF;
	_ =	strace $0x9FFFFFFF  }
0xc3: {  	(tm) =	ssettm $0x7FFFFFFF  }
tec
execute0_lowered:
.L_overlay_start_1:
0x0: {  	(tag) =	ssettag $0x1  }
0x1: {  	v0 =	vimm.s32 $0xFEDCBA9;
	v2 =	vimm.s32 $0x87654321  }
0x2: {  	v21 =	vimm.s32 $0x10FEDCBA;
	v3 =	vimm.s32 $0x98765432;
	v4 =	vimm.s32 $0x210FEDCB  }
0x3: {  	v5 =	vimm.s32 $0xA9876543;
	v23 =	vimm.s32 $0x3210FEDC;
	v25 =	vimm.s32 $0xBA987654  }
0x4: {  	v29 =	vimm.s32 $0x43210FED;
	v15 =	vimm.s32 $0xCBA98765;
	v33 =	vimm.s32 $0x543210FE  }
0x5: {  	v34 =	vimm.s32 $0xDCBA9876;
	v17 =	vimm.s32 $0x6543210F;
	v18 =	vimm.s32 $0xEDCBA987  }
0x6: {  	v19 =	vimm.s32 $0xFEDCBA98;
	v1 =	vunpack.c.l.s4.s8 v0;
	v20 =	vunpack.c.l.s4.s8 v2  }
0x7: {  	v2 =	vunpack.c.l.s4.s8 v21;
	v3 =	vunpack.c.l.s4.s8 v3;
	v4 =	vunpack.c.l.s4.s8 v4  }
0x8: {  	v22 =	vunpack.c.l.s4.s8 v5;
	v24 =	vunpack.c.l.s4.s8 v23;
	v6 =	vunpack.c.l.s4.s8 v29  }
0x9: {  	v30 =	vunpack.c.l.s4.s8 v15;
	v17 =	vunpack.c.l.s4.s8 v17;
	v18 =	vunpack.c.l.s4.s8 v18  }
0xa: {  	v19 =	vunpack.c.l.s4.s8 v19;
	v7 =	vunpack.c.0.s8.s32 v1;
	v8 =	vunpack.c.0.s8.s32 v20  }
0xb: {  	v9 =	vunpack.c.0.s8.s32 v2;
	v32 =	vunpack.c.0.s8.s32 v6;
	v16 =	vunpack.c.0.s8.s32 v30  }
0xc: {  	v10 =	vunpack.c.0.s8.s32 v3;
	v11 =	vunpack.c.0.s8.s32 v4;
	v12 =	vunpack.c.0.s8.s32 v22  }
0xd: {  	s5 =	rddreg [dreg:$0x0];
	v17 =	vunpack.c.0.s8.s32 v17;
	v18 =	vunpack.c.0.s8.s32 v18;
	v36 =	vcombine.low v16, v32  }
0xe: {  	s0 =	rddreg [dreg:$0x1];
	s2 =	simm.s32 $0x0;
	v2 =	vunpack.c.l.s4.s8 v25;
	v13 =	vunpack.c.0.s8.s32 v24;
	v45 =	vcombine.low v32, v16  }
0xf: {  	[smem:$0x7FF] =	sst s2;
	v4 =	vunpack.c.l.s4.s8 v33;
	v47 =	vcombine.low v17, v18;
	v44 =	vand.u32 $0xF, v36  }
0x10: {  	s1 =	rddreg [dreg:$0x2];
	_ =	strace $0x80000047;
	v6 =	vunpack.c.l.s4.s8 v34;
	v38 =	vcombine.low v7, v8;
	v41 =	vand.u32 $0xF, v45;
	[tilespmem:$0x1FF10] =	vst v44  }
0x11: {  	v27 =	vcombine.low v10, v9;
	v10 =	vcombine.low v9, v10;
	v45 =	vand.u32 $0xF, v47;
	[tilespmem:$0x1FF40] =	vst v41  }
0x12: {  	s3 =	stileid.u32;
	s4 =	srdreg.scid;
	v28 =	vcombine.low v12, v11;
	v11 =	vcombine.low v11, v12;
	v49 =	vand.u32 $0xF, v38;
	[tilespmem:$0x1FF60] =	vst v45  }
0x13: {  	s13 =	simm.s32 $0x2;
	s14 =	simm.s32 $0x400;
	s15 =	simm.s32 $0x4;
	v20 =	vimm.s32 $0x76543210;
	v23 =	vcombine.low v18, v17;
	v48 =	vand.u32 $0xF, v10;
	[tilespmem:$0x1FF70] =	vst v49  }
0x14: {  	s16 =	simm.s32 $0xAA10;
	s17 =	simm.s32 $0x1;
	s18 =	simm.s32 $0x3;
	v35 =	vunpack.c.l.s4.s8 v20;
	v26 =	vcombine.low v8, v7;
	v57 =	vand.u32 $0xF, v11;
	[tilespmem:$0x1FF80] =	vst v48  }
0x15: {  	s19 =	simm.s32 $0xAC10;
	s20 =	simm.s32 $0xE010;
	s21 =	simm.s32 $0x200;
	v19 =	vunpack.c.0.s8.s32 v19;
	v14 =	vunpack.c.0.s8.s32 v2;
	v62 =	vand.u32 $0xF, v23;
	[tilespmem:$0x1FFB0] =	vst v57  }
0x16: {  	s22 =	simm.s32 $0xA810;
	s23 =	simm.s32 $0x0;
	s6 =	smul.u32 $0x6800, s3;
	v22 =	vunpack.c.0.s8.s32 v6;
	v6 =	vunpack.c.0.s8.s32 v35;
	v56 =	vand.u32 $0xF, v26;
	[tilespmem:$0x1FFC0] =	vst v62  }
0x17: {  	s7 =	sand.u32 $0x1, s4;
	s8 =	smul.u32 $0x1400, s3;
	s4 =	sadd.s32 $0x800, s5;
	v21 =	vunpack.c.0.s8.s32 v4;
	v19 =	vand.u32 $0xF, v19;
	v58 =	vand.u32 $0xF, v27;
	[tilespmem:$0x1FFD0] =	vst v56  }
0x18: {  	s5 =	sadd.s32 $0xD800, s5;
	s30 =	smul.u32 $0xD000, s3;
	s9 =	ssub.s32 $0x2, s7;
	v55 =	vand.u32 $0xF, v28;
	v31 =	vcombine.low v14, v13;
	v40 =	vcombine.low v19, v6;
	[tilespmem:$0x1FFE0] =	vst v58  }
0x19: {  	s31 =	sshll.u32 s3, $0x9;
	s10 =	sshrl.u32 s9, $0x1;
	s11 =	sand.u32 $0x7C000, s6;
	v37 =	vcombine.low v22, v21;
	[tilespmem:$0x1FFF0] =	vst v55  }
0x1a: {  	s8 =	sand.u32 $0x1C00, s8;
	s6 =	sshll.u32 s7, $0xD;
	s7 =	smul.u32 $0x1A, s3;
	v42 =	vcombine.low v13, v14;
	v39 =	vand.u32 $0xF, v31;
	[tilespmem:$0x1FF20] =	vst v40  }
0x1b: {  	s12 =	ssub.s32 s9, s10;
	s29 =	sor.u32 s11, s8;
	s10 =	sor.u32 s31, s6;
	v46 =	vcombine.low v21, v22;
	v43 =	vand.u32 $0xF, v37;
	[tilespmem:$0x1FF30] =	vst v39  }
0x1c: {  	s9 =	sshrl.u32 s30, $0x2;
	s8 =	sor.u32 s6, s29;
	s10 =	sshrl.u32 s10, $0x3;
	v52 =	vand.u32 $0xF, v42;
	[tilespmem:$0x1FF50] =	vst v43  }
0x1d: {  	s9 =	sadd.s32 s9, s1;
	s11 =	smax.u32 s12, $0x1;
	s8 =	sshrl.u32 s8, $0x3;
	v61 =	vand.u32 $0xF, v46;
	[tilespmem:$0x1FF90] =	vst v52  }
0x1e: {  	v60 =	vlaneseq.u32;
	s12 =	simm.s32 $0x4280;
	s10 =	sadd.s32 s0, s10;
	s8 =	sadd.s32 s4, s8;
	[tilespmem:$0x1FFA0] =	vst v61  }
.LBB2_1:
0x1f: {  	[tilespmem:s12], [sflag:$0x2] =	stream.linear.gather [hbm4b:s5+s2], $0x6590, $0x38;
	[tilespmem:$0x11610] =	vst v63  }
.Ltmp0:
0x20: {  	_ = 	snop;
	(pc) =	sbr.rel .LBB2_2-.Ltmp0, $4  }
0x21: {  	[tilespmem:s2], [sflag:$0x1] =	stream.linear.gather [hbm4b:s8+s2], $0x200, $0x38;
	[tilespmem:$0x11610] =	vst v63  }
0x22: {  	_ =	swait.ge [sflag:s13], $0x6590  }
0x23: {  	[sflag:s13] =	ssyncset.done $0x0  }
0x24: {  	s24 =	simm.s32 $0x0;
	[sflag:s13] =	ssyncadd.s32 $0xFFFF9A70  }
.LBB2_9:
0x25: {  	s24 =	sadd.s32 $0x1, s24  }
0x26: {  	p0 =	sne.s32 s24, $0x1A  }
.Ltmp1:
0x27: {  	_ = 	snop;
	(pc) =	sbr.rel @!p0 .LBB2_10-.Ltmp1, $1  }
0x28: {  	_ =	sdelay $0x3  }
.LBB2_2:
0x29: {  	s0 =	sadd.s32 s7, s24  }
0x2a: {  	p0 =	seq.s32 s24, $0x0;
	s25 =	sand.u32 $0xF, s0  }
0x2b: {  	p1 =	sne.s32 @!p0 s25, $0x0  }
0x2c: {  	s26 =	sshrl.u32 s0, $0x4;
	p0 =	por p0, !p1  }
0x2d: {  	s28 =	smul.u32 @p0 $0x3E80, s26;
	_ =	sdelay $0x1  }
0x2e: {  	s28 =	sshrl.u32 @p0 s28, $0x3  }
0x2f: {  	s28 =	sadd.s32 @p0 s5, s28  }
0x30: {  	s28 =	sadd.s32 @p0 $0xCB2, s28  }
0x31: {  	[tilespmem:s14], [sflag:$0x4] =	stream.linear.gather @p0 [hbm4b:s28+s2], $0x3E80, $0x38;
	[tilespmem:$0x11610] =	vst v63  }
0x32: {  	_ =	swait.ge @p0 [sflag:s15], $0x3E80  }
0x33: {  	[sflag:s15] =	ssyncset.done @p0 $0x0  }
0x34: {  	[sflag:s15] =	ssyncadd.s32 @p0 $0xFFFFC180;
	p0 =	slt.s32 s0, $0x19E  }
0x35: {  	s0 =	simm.s32 @!p0 $0x19E  }
0x36: {  	s29 =	sand.u32 $0x1, s24;
	s0 =	sadd.s32 $0x1, s0  }
0x37: {  	p0 =	seq.s32 s29, $0x1;
	s28 =	sshll.u32 s0, $0xA;
	s0 =	sshll.u32 s0, $0x9  }
.Ltmp2:
0x38: {  	s28 =	sand.u32 $0xFC000, s28;
	s0 =	sand.u32 $0x1E00, s0;
	(pc) =	sbr.rel @p0 .LBB2_6-.Ltmp2, $4  }
0x39: {  	s0 =	sor.u32 s28, s0  }
0x3a: {  	s0 =	sor.u32 s6, s0  }
0x3b: {  	s0 =	sshrl.u32 s0, $0x3  }
0x3c: {  	s28 =	sadd.s32 s4, s0  }
0x3d: {  	[tilespmem:s21], [sflag:$0x2] =	stream.linear.gather [hbm4b:s28+s2], $0x200, $0x38;
	[tilespmem:$0x11610] =	vst v63  }
0x3e: {  	_ =	swait.ge [sflag:s17], $0x200  }
0x3f: {  	p0 =	slt.u32 s24, $0x2;
	[sflag:s17] =	ssyncset.done $0x0  }
0x40: {  	s0 =	simm.s32 @!p0 $0x3;
	[sflag:s17] =	ssyncadd.s32 $0xFFFFFE00  }
0x41: {  	_ =	swait.ge @!p0 [sflag:s0], $0x200  }
0x42: {  	[sflag:s0] =	ssyncset.done @!p0 $0x0  }
0x43: {  	[sflag:s0] =	ssyncadd.s32 @!p0 $0xFFFFFE00;
	s0 =	simm.s32 $0x10  }
0x44: {  	v17 =	vld [tilespmem:s0+$0x0];
	_ =	sdelay $0x4  }
0x45: {  	v18 =	vand.u32 $0xFFFF, v17  }
0x46: {  	v19 =	vshrl.u32 v17, $0x10;
	v20 =	vshll.u32 v18, $0x4  }
0x47: {  	v21 =	vshll.u32 v19, $0x4;
	v16 =	vor.u32 v52, v20  }
0x48: {  	v22 =	vor.u32 v52, v21  }
0x49: {  	v23 =	vor.u32 v41, v20  }
0x4a: {  	v24 =	vor.u32 v41, v21  }
0x4b: {  	v25 =	vld [tilespmem:s0+$0xFFFFFFF0];
	v26 =	vor.u32 v61, v20  }
0x4c: {  	v28 =	vor.u32 v40, v20;
	v27 =	vld.idx.msk [tilespmem:v16+s14+$0x0], $0xffff  }
0x4d: {  	v29 =	vor.u32 v40, v21;
	v22 =	vld.idx.msk [tilespmem:v22+s14+$0x0], $0xffff  }
0x4e: {  	v30 =	vor.u32 v49, v20;
	v23 =	vld.idx.msk [tilespmem:v23+s14+$0x0], $0xffff  }
0x4f: {  	v31 =	vor.u32 v49, v21;
	v24 =	vld.idx.msk [tilespmem:v24+s14+$0x0], $0xffff  }
0x50: {  	v32 =	vor.u32 v48, v20;
	v26 =	vld.idx.msk [tilespmem:v26+s14+$0x0], $0xffff  }
0x51: {  	v34 =	vor.u32 v39, v20;
	v28 =	vld.idx.msk [tilespmem:v28+s14+$0x0], $0xffff  }
0x52: {  	v35 =	vor.u32 v39, v21;
	v29 =	vld.idx.msk [tilespmem:v29+s14+$0x0], $0xffff  }
0x53: {  	v16 =	vor.u32 v61, v21;
	v30 =	vld.idx.msk [tilespmem:v30+s14+$0x0], $0xffff  }
0x54: {  	v36 =	vor.u32 v44, v20;
	v31 =	vld.idx.msk [tilespmem:v31+s14+$0x0], $0xffff  }
0x55: {  	v37 =	vor.u32 v44, v21;
	v32 =	vld.idx.msk [tilespmem:v32+s14+$0x0], $0xffff  }
0x56: {  	v38 =	vor.u32 v43, v20;
	v34 =	vld.idx.msk [tilespmem:v34+s14+$0x0], $0xffff  }
0x57: {  	v54 =	vor.u32 v62, v20;
	v35 =	vld.idx.msk [tilespmem:v35+s14+$0x0], $0xffff  }
0x58: {  	v33 =	vld.idx.msk [tilespmem:v16+s14+$0x0], $0xffff;
	v16 =	vor.u32 v48, v21  }
0x59: {  	v59 =	vor.u32 v60, v20;
	v36 =	vld.idx.msk [tilespmem:v36+s14+$0x0], $0xffff  }
0x5a: {  	v42 =	vor.u32 v60, v21;
	v37 =	vld.idx.msk [tilespmem:v37+s14+$0x0], $0xffff  }
0x5b: {  	v9 =	vor.u32 v56, v21;
	v38 =	vld.idx.msk [tilespmem:v38+s14+$0x0], $0xffff  }
0x5c: {  	v63 =	vor.u32 v56, v20;
	v40 =	vld.idx.msk [tilespmem:v54+s14+$0x0], $0xffff  }
0x5d: {  	v0 =	vmov v39;
	s0 =	smul.u32 $0x3E8, s26;
	v39 =	vld.idx.msk [tilespmem:v16+s14+$0x0], $0xffff;
	v16 =	vor.u32 v43, v21  }
0x5e: {  	v4 =	vmov v41;
	v46 =	vor.u32 v58, v20;
	v41 =	vld.idx.msk [tilespmem:v59+s14+$0x0], $0xffff  }
0x5f: {  	v7 =	vmov s0;
	v47 =	vor.u32 v58, v21;
	v42 =	vld.idx.msk [tilespmem:v42+s14+$0x0], $0xffff  }
0x60: {  	v11 =	vadd.s32 v7, v18;
	v12 =	vor.u32 v55, v20;
	v44 =	vld.idx.msk [tilespmem:v9+s14+$0x0], $0xffff  }
0x61: {  	v1 =	vmovc v43;
	v3 =	vmovc v48;
	v17 =	vand.u32 $0x7, v17;
	v50 =	vor.u32 v55, v21;
	v48 =	vand.u32 $0x7FFFFFF8, v11;
	v43 =	vld.idx.msk [tilespmem:v63+s14+$0x0], $0xffff  }
0x62: {  	v17 =	vor.u32 v17, v48;
	v10 =	vld.idx.msk [tilespmem:v16+s14+$0x0], $0xffff;
	[tilespmem:$0x1FF00] =	vst v7  }
0x63: {  	v51 =	vand.u32 $0xFFFF, v25;
	v14 =	vor.u32 v62, v21;
	v46 =	vld.idx.msk [tilespmem:v46+s14+$0x0], $0xffff  }
0x64: {  	v5 =	vmovc v45;
	v53 =	vand.u32 $0x7, v25;
	v25 =	vshrl.u32 v25, $0x10;
	v54 =	vor.u32 v57, v20;
	v47 =	vld.idx.msk [tilespmem:v47+s14+$0x0], $0xffff  }
0x65: {  	v13 =	vadd.s32 v7, v51;
	vm1 =	veq.s32 v18, v19;
	v59 =	vor.u32 v57, v21;
	v19 =	vld.idx.msk [tilespmem:v12+s14+$0x0], $0xffff  }
0x66: {  	vm0 =	veq.s32 v51, v25;
	v20 =	vor.u32 v5, v20;
	v22 =	vmul.f32 v22, v27;
	v27 =	vld.idx.msk [tilespmem:v50+s14+$0x0], $0xffff  }
0x67: {  	v2 =	vmovc v49;
	v49 =	vshll.u32 v51, $0x4;
	v48 =	vand.u32 $0x7FFFFFF8, v13;
	v21 =	vor.u32 v5, v21;
	v17 =	vld.idx.msk [tilespmem:v17+s12+$0x0], $0xffff  }
0x68: {  	v18 =	vor.u32 v53, v48;
	v50 =	vshll.u32 v25, $0x4;
	v25 =	vmul.f32 v29, v28;
	v29 =	vld.idx.msk [tilespmem:v14+s14+$0x0], $0xffff  }
0x69: {  	v41 =	vmul.f32 v42, v41;
	v7 =	vor.u32 v56, v49;
	v63 =	vld.idx.msk [tilespmem:v54+s14+$0x0], $0xffff  }
0x6a: {  	v23 =	vmul.f32 v24, v23;
	v28 =	vor.u32 v60, v49;
	v8 =	vld.idx.msk [tilespmem:v59+s14+$0x0], $0xffff  }
0x6b: {  	v24 =	vmul.f32 v35, v34;
	v30 =	vmul.f32 v31, v30;
	v41 =	vadd.f32 $0.0e+00, v41;
	v20 =	vld.idx.msk [tilespmem:v20+s14+$0x0], $0xffff  }
0x6c: {  	v31 =	vmul.f32 v37, v36;
	v43 =	vmul.f32 v44, v43;
	v21 =	vld.idx.msk [tilespmem:v21+s14+$0x0], $0xffff;
	v60 =	vor.u32 v60, v50  }
0x6d: {  	v24 =	vadd.f32 v24, v41;
	v18 =	vld.idx.msk [tilespmem:v18+s12+$0x0], $0xffff;
	v9 =	vor.u32 v56, v50;
	v11 =	vor.u32 v58, v50  }
0x6e: {  	v12 =	vor.u32 v55, v50;
	v43 =	vadd.f32 $0.0e+00, v43;
	v38 =	vmul.f32 v10, v38;
	v36 =	vld.idx.msk [tilespmem:v7+s14+$0x0], $0xffff  }
0x6f: {  	v24 =	vadd.f32 v25, v24;
	v19 =	vmul.f32 v27, v19;
	v10 =	vmul.f32 v47, v46;
	v28 =	vld.idx.msk [tilespmem:v28+s14+$0x0], $0xffff  }
0x70: {  	v31 =	vadd.f32 v31, v43;
	v17 =	vnsel vm1, $0x0, v17;
	v29 =	vmul.f32 v29, v40;
	v40 =	vld [tilespmem:$0x1FF20]  }
0x71: {  	v14 =	vor.u32 v0, v50;
	v34 =	vld.idx.msk [tilespmem:v60+s14+$0x0], $0xffff;
	v17 =	vadd.f32 v19, v17;
	v44 =	vadd.f32 $0.0e+00, v10  }
0x72: {  	v22 =	vadd.f32 v22, v24;
	v24 =	vor.u32 v1, v50;
	v42 =	vld.idx.msk [tilespmem:v9+s14+$0x0], $0xffff;
	v19 =	vor.u32 v55, v49  }
0x73: {  	v38 =	vadd.f32 v38, v44;
	v44 =	vld [tilespmem:$0x1FF10];
	v17 =	vadd.f32 v29, v17;
	v29 =	vmul.f32 v8, v63  }
0x74: {  	v27 =	vor.u32 v58, v49;
	v25 =	vadd.f32 v30, v31;
	v47 =	vld.idx.msk [tilespmem:v11+s14+$0x0], $0xffff  }
0x75: {  	v20 =	vmul.f32 v21, v20;
	v21 =	vor.u32 v1, v49;
	v51 =	vld.idx.msk [tilespmem:v12+s14+$0x0], $0xffff;
	v17 =	vadd.f32 v29, v17  }
0x76: {  	v13 =	vor.u32 v0, v49;
	v23 =	vadd.f32 v23, v25;
	v25 =	vld.idx.msk [tilespmem:v14+s14+$0x0], $0xffff  }
0x77: {  	v32 =	vmul.f32 v39, v32;
	v24 =	vld.idx.msk [tilespmem:v24+s14+$0x0], $0xffff;
	v17 =	vadd.f32 v20, v17;
	v20 =	vor.u32 v62, v49  }
0x78: {  	v6 =	vmov v52;
	v26 =	vmul.f32 v33, v26;
	v19 =	vld.idx.msk [tilespmem:v19+s14+$0x0], $0xffff;
	v30 =	vor.u32 v44, v49  }
0x79: {  	v52 =	vor.u32 v62, v50;
	v27 =	vld.idx.msk [tilespmem:v27+s14+$0x0], $0xffff;
	v31 =	vadd.f32 v32, v38;
	v48 =	vor.u32 v44, v50  }
0x7a: {  	v59 =	vor.u32 v57, v50;
	v45 =	vor.u32 v5, v50;
	v18 =	vnsel vm0, $0x0, v18;
	v21 =	vld.idx.msk [tilespmem:v21+s14+$0x0], $0xffff  }
0x7b: {  	v22 =	vadd.f32 v23, v22;
	v23 =	vor.u32 v40, v49;
	v29 =	vld.idx.msk [tilespmem:v13+s14+$0x0], $0xffff;
	v26 =	vadd.f32 v26, v31  }
0x7c: {  	v60 =	vor.u32 v2, v50;
	v55 =	vor.u32 v2, v49;
	v54 =	vor.u32 v40, v50;
	v63 =	vld.idx.msk [tilespmem:v20+s14+$0x0], $0xffff  }
0x7d: {  	v28 =	vmul.f32 v34, v28;
	v17 =	vadd.f32 v17, v26;
	v19 =	vmul.f32 v51, v19;
	v53 =	vld.idx.msk [tilespmem:v30+s14+$0x0], $0xffff  }
0x7e: {  	v31 =	vmul.f32 v42, v36;
	v62 =	vor.u32 v3, v49;
	v3 =	vor.u32 v3, v50;
	v26 =	vld.idx.msk [tilespmem:v48+s14+$0x0], $0xffff  }
0x7f: {  	v27 =	vmul.f32 v47, v27;
	v17 =	vadd.f32 v17, v22;
	v32 =	vadd.f32 v19, v18;
	v19 =	vld.idx.msk [tilespmem:v52+s14+$0x0], $0xffff  }
0x80: {  	s30 =	simm.s32 $0xA820;
	v28 =	vadd.f32 $0.0e+00, v28;
	v34 =	vld.idx.msk [tilespmem:v23+s14+$0x0], $0xffff;
	v23 =	vor.u32 v6, v50;
	v25 =	vmul.f32 v25, v29  }
0x81: {  	v33 =	vld.idx.msk [tilespmem:v55+s14+$0x0], $0xffff;
	v21 =	vmul.f32 v24, v21;
	v24 =	vor.u32 v61, v49;
	[tilespmem:s30+$0x0] =	vst v17;
	v17 =	vadd.f32 $0.0e+00, v27  }
0x82: {  	v36 =	vld.idx.msk [tilespmem:v60+s14+$0x0], $0xffff;
	v20 =	vor.u32 v57, v49;
	v30 =	vadd.f32 v25, v28;
	v25 =	vor.u32 v6, v49  }
0x83: {  	v35 =	vld.idx.msk [tilespmem:v54+s14+$0x0], $0xffff;
	v28 =	vadd.f32 $0.0e+00, v31;
	v51 =	vadd.f32 v21, v17;
	v22 =	vmul.f32 v26, v53  }
0x84: {  	v27 =	vld.idx.msk [tilespmem:v3+s14+$0x0], $0xffff;
	v21 =	vor.u32 v61, v50;
	v26 =	vor.u32 v4, v49;
	v31 =	vmul.f32 v19, v63  }
0x85: {  	s31 =	simm.s32 $0x0;
	s0 =	simm.s32 $0x30;
	v19 =	vor.u32 v5, v49;
	v29 =	vadd.f32 v22, v28;
	v22 =	vor.u32 v4, v50;
	v28 =	vld.idx.msk [tilespmem:v62+s14+$0x0], $0xffff  }
.LBB2_4:
0x86: {  	v53 =	vld [tilespmem:s0+$0x0]  }
0x87: {  	v37 =	vld [tilespmem:s0+$0xFFFFFFF0]  }
0x88: {  	v62 =	vld.idx.msk [tilespmem:v20+s14+$0x0], $0xffff  }
0x89: {  	v63 =	vld.idx.msk [tilespmem:v59+s14+$0x0], $0xffff  }
0x8a: {  	v13 =	vld.idx.msk [tilespmem:v26+s14+$0x0], $0xffff  }
0x8b: {  	v26 =	vld [tilespmem:$0x1FF90]  }
0x8c: {  	v5 =	vld.idx.msk [tilespmem:v22+s14+$0x0], $0xffff  }
0x8d: {  	v50 =	vld [tilespmem:$0x1FF00]  }
0x8e: {  	v7 =	vld.idx.msk [tilespmem:v24+s14+$0x0], $0xffff  }
0x8f: {  	v52 =	vld [tilespmem:$0x1FF40]  }
0x90: {  	v9 =	vld.idx.msk [tilespmem:v21+s14+$0x0], $0xffff  }
0x91: {  	v10 =	vld.idx.msk [tilespmem:v19+s14+$0x0], $0xffff  }
0x92: {  	v49 =	vld [tilespmem:$0x1FFD0]  }
0x93: {  	v58 =	vlaneseq.u32;
	v55 =	vld [tilespmem:$0x1FFA0]  }
0x94: {  	v11 =	vld.idx.msk [tilespmem:v45+s14+$0x0], $0xffff;
	v32 =	vadd.f32 v31, v32;
	v31 =	vmul.f32 v35, v34;
	v20 =	vmul.f32 v36, v33  }
0x95: {  	v3 =	vld [tilespmem:$0x1FF30];
	v16 =	vmul.f32 v27, v28;
	v41 =	vand.u32 $0xFFFF, v53;
	v2 =	vand.u32 $0xFFFF, v37  }
0x96: {  	v43 =	vld [tilespmem:$0x1FFE0];
	v46 =	vshrl.u32 v53, $0x10;
	v4 =	vshrl.u32 v37, $0x10;
	v63 =	vmul.f32 v63, v62  }
0x97: {  	v57 =	vld [tilespmem:$0x1FFF0];
	v7 =	vmul.f32 v9, v7;
	v34 =	vadd.f32 v31, v30;
	v56 =	vshll.u32 v41, $0x4  }
0x98: {  	v12 =	vld [tilespmem:$0x1FF70];
	v60 =	vadd.f32 v20, v29;
	v54 =	vshll.u32 v46, $0x4;
	v18 =	vor.u32 v26, v56  }
0x99: {  	v27 =	vld.idx.msk [tilespmem:v23+s14+$0x0], $0xffff;
	v20 =	vadd.s32 v50, v2;
	v8 =	vshll.u32 v4, $0x4;
	v22 =	vor.u32 v26, v54  }
0x9a: {  	v30 =	vld.idx.msk [tilespmem:v25+s14+$0x0], $0xffff;
	v6 =	vshll.u32 v2, $0x4;
	v23 =	vor.u32 v52, v56;
	v45 =	vor.u32 v3, v8  }
0x9b: {  	v16 =	vadd.f32 v16, v51;
	v21 =	vor.u32 v52, v54;
	v48 =	vor.u32 v44, v8;
	[tilespmem:$0x1FE30] =	vst v45;
	v45 =	vld [tilespmem:$0x1FF50]  }
0x9c: {  	v0 =	vor.u32 v58, v8;
	v14 =	vor.u32 v49, v6;
	v19 =	vor.u32 v55, v56;
	[tilespmem:$0x1FE50] =	vst v48;
	v48 =	vld [tilespmem:$0x1FFC0]  }
0x9d: {  	v15 =	vor.u32 v49, v8;
	v17 =	vor.u32 v55, v54;
	[tilespmem:$0x1FDB0] =	vst v0;
	v61 =	vld.idx.msk [tilespmem:v18+s14+$0x0], $0xffff  }
0x9e: {  	v33 =	vor.u32 v43, v6;
	v24 =	vor.u32 v40, v54;
	[tilespmem:$0x1FDC0] =	vst v14;
	v29 =	vld.idx.msk [tilespmem:v22+s14+$0x0], $0xffff  }
0x9f: {  	v35 =	vor.u32 v43, v8;
	v62 =	vor.u32 v43, v56;
	[tilespmem:$0x1FDD0] =	vst v15;
	v31 =	vld.idx.msk [tilespmem:v23+s14+$0x0], $0xffff  }
0xa0: {  	v38 =	vor.u32 v57, v6;
	[tilespmem:$0x1FDE0] =	vst v33;
	v0 =	vor.u32 v3, v56;
	v28 =	vld.idx.msk [tilespmem:v21+s14+$0x0], $0xffff  }
0xa1: {  	v39 =	vor.u32 v57, v8;
	v47 =	vor.u32 v44, v6;
	[tilespmem:$0x1FDF0] =	vst v35;
	v35 =	vld.idx.msk [tilespmem:v19+s14+$0x0], $0xffff  }
0xa2: {  	v20 =	vand.u32 $0x7FFFFFF8, v20;
	v25 =	vor.u32 v26, v6;
	[tilespmem:$0x1FE10] =	vst v39;
	v39 =	vor.u32 v40, v6;
	v33 =	vld.idx.msk [tilespmem:v17+s14+$0x0], $0xffff  }
0xa3: {  	v7 =	vadd.f32 v7, v16;
	v27 =	vmul.f32 v27, v30;
	v30 =	vor.u32 v49, v54;
	v1 =	vld.idx.msk [tilespmem:v24+s14+$0x0], $0xffff  }
0xa4: {  	[tilespmem:$0x1FE00] =	vst v38;
	v18 =	vor.u32 v40, v56;
	v22 =	vand.u32 $0x7, v37;
	v21 =	vor.u32 v12, v54;
	v62 =	vld.idx.msk [tilespmem:v62+s14+$0x0], $0xffff  }
0xa5: {  	v23 =	vor.u32 v26, v8;
	v26 =	vor.u32 v52, v6;
	v59 =	vor.u32 v45, v6;
	v0 =	vld.idx.msk [tilespmem:v0+s14+$0x0], $0xffff  }
0xa6: {  	v37 =	vor.u32 v22, v20;
	v14 =	vor.u32 v45, v8;
	v22 =	vor.u32 v52, v8;
	v52 =	vld [tilespmem:$0x1FF60];
	[tilespmem:$0x1FE60] =	vst v59  }
0xa7: {  	v40 =	vor.u32 v40, v8;
	v20 =	vor.u32 v12, v56;
	v15 =	vor.u32 v48, v6;
	[tilespmem:$0x1FE70] =	vst v14;
	v14 =	vld [tilespmem:$0x1FF80]  }
0xa8: {  	v38 =	vor.u32 v48, v8;
	[tilespmem:$0x1FEB0] =	vst v40;
	v34 =	vadd.f32 v27, v34;
	v27 =	vadd.s32 v50, v41;
	v51 =	vld [tilespmem:$0x1FE60]  }
0xa9: {  	v40 =	vor.u32 v44, v54;
	[tilespmem:$0x1FE90] =	vst v38;
	v16 =	vand.u32 $0x7FFFFFF8, v27;
	v27 =	vand.u32 $0x7, v53;
	v53 =	vld [tilespmem:$0x1FE70]  }
0xaa: {  	v38 =	vor.u32 v44, v56;
	v44 =	vor.u32 v48, v56;
	v16 =	vor.u32 v27, v16;
	v27 =	vld.idx.msk [tilespmem:v30+s14+$0x0], $0xffff  }
0xab: {  	[tilespmem:$0x1FE80] =	vst v15;
	v15 =	vld.idx.msk [tilespmem:v18+s14+$0x0], $0xffff  }
0xac: {  	vm0 =	veq.s32 v2, v4;
	[tilespmem:$0x1FEA0] =	vst v39;
	v18 =	vor.u32 v12, v6;
	v39 =	vld.idx.msk [tilespmem:v21+s14+$0x0], $0xffff  }
0xad: {  	v42 =	vor.u32 v3, v6;
	[tilespmem:$0x1FEC0] =	vst v18;
	v18 =	vor.u32 v3, v54;
	v3 =	vld.idx.msk [tilespmem:v20+s14+$0x0], $0xffff  }
0xae: {  	v24 =	vor.u32 v55, v6;
	v21 =	vor.u32 v55, v8;
	v55 =	vor.u32 v49, v56;
	v4 =	vld.idx.msk [tilespmem:v40+s14+$0x0], $0xffff  }
0xaf: {  	[tilespmem:$0x1FE40] =	vst v47;
	v47 =	vor.u32 v14, v8;
	v44 =	vld.idx.msk [tilespmem:v44+s14+$0x0], $0xffff  }
0xb0: {  	[tilespmem:$0x1FEF0] =	vst v47;
	v47 =	vld [tilespmem:$0x1FFB0]  }
0xb1: {  	v19 =	vor.u32 v14, v56;
	v50 =	vld.idx.msk [tilespmem:v16+s12+$0x0], $0xffff  }
0xb2: {  	v5 =	vmul.f32 v5, v13;
	v17 =	vor.u32 v14, v54;
	v16 =	vmul.f32 v29, v61;
	v61 =	vld [tilespmem:$0x1FDC0]  }
0xb3: {  	v36 =	vor.u32 v58, v6;
	[tilespmem:$0x1FE20] =	vst v42;
	v42 =	vor.u32 v14, v6;
	v40 =	vld.idx.msk [tilespmem:v55+s14+$0x0], $0xffff  }
0xb4: {  	v5 =	vadd.f32 v5, v60;
	[tilespmem:$0x1FEE0] =	vst v42;
	v42 =	vor.u32 v45, v56;
	v18 =	vld.idx.msk [tilespmem:v18+s14+$0x0], $0xffff  }
0xb5: {  	v60 =	vor.u32 v57, v54;
	v12 =	vor.u32 v12, v8;
	v3 =	vmul.f32 v39, v3;
	v39 =	vld [tilespmem:$0x1FE10]  }
0xb6: {  	[tilespmem:$0x1FED0] =	vst v12;
	v49 =	vor.u32 v52, v56;
	v29 =	vor.u32 v52, v54;
	v14 =	vld.idx.msk [tilespmem:v19+s14+$0x0], $0xffff  }
0xb7: {  	v12 =	vld.idx.msk [tilespmem:v17+s14+$0x0], $0xffff;
	v17 =	vor.u32 v45, v54;
	v19 =	vor.u32 v52, v6;
	v45 =	vor.u32 v52, v8  }
0xb8: {  	v20 =	vor.u32 v47, v6;
	v59 =	vor.u32 v47, v8;
	v6 =	vor.u32 v58, v56;
	v8 =	vld.idx.msk [tilespmem:v38+s14+$0x0], $0xffff  }
0xb9: {  	v58 =	vor.u32 v58, v54;
	v42 =	vld.idx.msk [tilespmem:v42+s14+$0x0], $0xffff;
	v38 =	vadd.f32 v63, v32;
	v63 =	vmul.f32 v11, v10  }
0xba: {  	v32 =	vor.u32 v43, v54;
	v30 =	vor.u32 v47, v56;
	v43 =	vor.u32 v47, v54;
	v47 =	vld.idx.msk [tilespmem:v60+s14+$0x0], $0xffff  }
0xbb: {  	v9 =	vadd.f32 v63, v38;
	v63 =	vor.u32 v48, v54;
	v54 =	vmul.f32 v28, v31;
	v28 =	vld [tilespmem:$0x1FDB0]  }
0xbc: {  	v48 =	vld [tilespmem:$0x1FE30]  }
0xbd: {  	v0 =	vmul.f32 v18, v0;
	v18 =	vld.idx.msk [tilespmem:v49+s14+$0x0], $0xffff  }
0xbe: {  	v49 =	vld [tilespmem:$0x1FE40]  }
0xbf: {  	v17 =	vld.idx.msk [tilespmem:v17+s14+$0x0], $0xffff  }
0xc0: {  	v6 =	vld.idx.msk [tilespmem:v6+s14+$0x0], $0xffff  }
0xc1: {  	v2 =	vld.idx.msk [tilespmem:v58+s14+$0x0], $0xffff  }
0xc2: {  	v10 =	vld.idx.msk [tilespmem:v32+s14+$0x0], $0xffff  }
0xc3: {  	v5 =	vadd.f32 v5, v34;
	v7 =	vadd.f32 v9, v7;
	v55 =	vld.idx.msk [tilespmem:v30+s14+$0x0], $0xffff  }
0xc4: {  	vm1 =	veq.s32 v41, v46;
	v58 =	vor.u32 v57, v56;
	v57 =	vmul.f32 v27, v40;
	v40 =	vld [tilespmem:$0x1FF20]  }
0xc5: {  	v5 =	vadd.f32 v7, v5;
	v7 =	vnsel vm1, $0x0, v50;
	v50 =	vld [tilespmem:$0x1FE50]  }
0xc6: {  	v13 =	vld.idx.msk [tilespmem:v63+s14+$0x0], $0xffff  }
0xc7: {  	v63 =	vmul.f32 v12, v14;
	v12 =	vld [tilespmem:$0x1FDD0]  }
0xc8: {  	v14 =	vld [tilespmem:$0x1FDE0]  }
0xc9: {  	[tilespmem:s30+$0xFFFFFFF0] =	vst v5;
	v56 =	vmul.f32 v17, v42;
	v17 =	vld.idx.msk [tilespmem:v43+s14+$0x0], $0xffff  }
0xca: {  	v27 =	vld.idx.msk [tilespmem:v36+s14+$0x0], $0xffff  }
0xcb: {  	v36 =	vld [tilespmem:$0x1FE00]  }
0xcc: {  	v11 =	vld.idx.msk [tilespmem:v39+s14+$0x0], $0xffff  }
0xcd: {  	v42 =	vld.idx.msk [tilespmem:v37+s12+$0x0], $0xffff  }
0xce: {  	v43 =	vld [tilespmem:$0x1FE20]  }
0xcf: {  	v34 =	vld.idx.msk [tilespmem:v58+s14+$0x0], $0xffff  }
0xd0: {  	v58 =	vld.idx.msk [tilespmem:v29+s14+$0x0], $0xffff  }
0xd1: {  	v28 =	vld.idx.msk [tilespmem:v28+s14+$0x0], $0xffff  }
0xd2: {  	v2 =	vmul.f32 v2, v6;
	v10 =	vmul.f32 v10, v62;
	v6 =	vadd.f32 $0.0e+00, v57;
	v57 =	vld [tilespmem:$0x1FEB0]  }
0xd3: {  	v60 =	vmul.f32 v13, v44;
	v44 =	vld [tilespmem:$0x1FF10]  }
0xd4: {  	v10 =	vadd.f32 $0.0e+00, v10;
	v13 =	vld.idx.msk [tilespmem:v61+s14+$0x0], $0xffff  }
0xd5: {  	v4 =	vmul.f32 v4, v8;
	v61 =	vld [tilespmem:$0x1FED0]  }
0xd6: {  	v8 =	vadd.f32 v56, v10;
	v10 =	vld.idx.msk [tilespmem:v51+s14+$0x0], $0xffff  }
0xd7: {  	v62 =	vadd.f32 v4, v6;
	v5 =	vmul.f32 v17, v55;
	v55 =	vld [tilespmem:$0x1FE90]  }
0xd8: {  	v2 =	vadd.f32 $0.0e+00, v2;
	v56 =	vld [tilespmem:$0x1FEA0]  }
0xd9: {  	v32 =	vadd.f32 v3, v62;
	v62 =	vld [tilespmem:$0x1FEE0]  }
0xda: {  	v1 =	vmul.f32 v1, v15;
	v0 =	vadd.f32 v0, v2;
	v9 =	vmul.f32 v47, v34;
	v34 =	vld [tilespmem:$0x1FDF0]  }
0xdb: {  	v6 =	vld.idx.msk [tilespmem:v12+s14+$0x0], $0xffff  }
0xdc: {  	v33 =	vmul.f32 v33, v35;
	v35 =	vmul.f32 v58, v18;
	v58 =	vld [tilespmem:$0x1FEC0];
	v0 =	vadd.f32 v1, v0  }
0xdd: {  	v1 =	vadd.f32 v54, v32;
	v54 =	vld [tilespmem:$0x1FE80];
	v7 =	vadd.f32 v9, v7  }
0xde: {  	v4 =	vadd.f32 v63, v8;
	v63 =	vld [tilespmem:$0x1FEF0]  }
0xdf: {  	v9 =	vld.idx.msk [tilespmem:v14+s14+$0x0], $0xffff;
	v7 =	vadd.f32 v60, v7  }
0xe0: {  	v8 =	vld.idx.msk [tilespmem:v36+s14+$0x0], $0xffff  }
0xe1: {  	v2 =	vadd.f32 v33, v4;
	v4 =	vld.idx.msk [tilespmem:v48+s14+$0x0], $0xffff;
	v5 =	vadd.f32 v5, v7  }
0xe2: {  	v0 =	vadd.f32 v16, v0;
	v3 =	vld.idx.msk [tilespmem:v34+s14+$0x0], $0xffff  }
0xe3: {  	v7 =	vld.idx.msk [tilespmem:v43+s14+$0x0], $0xffff;
	v41 =	vadd.f32 v35, v5  }
0xe4: {  	v0 =	vadd.f32 v1, v0;
	v1 =	vld.idx.msk [tilespmem:v50+s14+$0x0], $0xffff  }
0xe5: {  	v36 =	vld.idx.msk [tilespmem:v61+s14+$0x0], $0xffff;
	v46 =	vadd.f32 v41, v2  }
0xe6: {  	v5 =	vld.idx.msk [tilespmem:v53+s14+$0x0], $0xffff  }
0xe7: {  	v0 =	vadd.f32 v46, v0;
	v3 =	vmul.f32 v3, v9;
	v9 =	vld.idx.msk [tilespmem:v49+s14+$0x0], $0xffff  }
0xe8: {  	s31 =	sadd.s32 $0x2, s31;
	s30 =	sadd.s32 $0x20, s30;
	v4 =	vmul.f32 v4, v7;
	v7 =	vld.idx.msk [tilespmem:v55+s14+$0x0], $0xffff  }
0xe9: {  	p0 =	slt.u32 s31, $0x1E;
	v38 =	vmul.f32 v28, v27;
	v6 =	vmul.f32 v6, v13;
	[tilespmem:s30+$0x0] =	vst v0;
	v0 =	vld.idx.msk [tilespmem:v54+s14+$0x0], $0xffff  }
.Ltmp3:
0xea: {  	v52 =	vnsel vm0, $0x0, v42;
	v28 =	vld.idx.msk [tilespmem:v62+s14+$0x0], $0xffff;
	(pc) =	sbr.rel @p0 .LBB2_4-.Ltmp3, $4  }
0xeb: {  	v47 =	vadd.f32 $0.0e+00, v38;
	v6 =	vadd.f32 $0.0e+00, v6;
	v8 =	vmul.f32 v11, v8;
	v34 =	vld.idx.msk [tilespmem:v56+s14+$0x0], $0xffff  }
0xec: {  	v35 =	vld.idx.msk [tilespmem:v57+s14+$0x0], $0xffff;
	v60 =	vmul.f32 v5, v10;
	v3 =	vadd.f32 $0.0e+00, v3;
	v1 =	vmul.f32 v1, v9  }
0xed: {  	v33 =	vld.idx.msk [tilespmem:v58+s14+$0x0], $0xffff;
	v32 =	vadd.f32 v8, v52;
	v30 =	vadd.f32 v4, v47  }
0xee: {  	s0 =	sadd.s32 $0x20, s0;
	v27 =	vld.idx.msk [tilespmem:v63+s14+$0x0], $0xffff;
	v51 =	vadd.f32 v60, v3;
	v31 =	vmul.f32 v7, v0;
	v29 =	vadd.f32 v1, v6  }
0xef: {  	_ =	sdelay $0x3  }
0xf0: {  	v0 =	vld.idx.msk [tilespmem:v20+s14+$0x0], $0xffff  }
0xf1: {  	v1 =	vld.idx.msk [tilespmem:v59+s14+$0x0], $0xffff  }
0xf2: {  	v2 =	vld.idx.msk [tilespmem:v25+s14+$0x0], $0xffff  }
0xf3: {  	v3 =	vld.idx.msk [tilespmem:v23+s14+$0x0], $0xffff  }
0xf4: {  	v4 =	vld.idx.msk [tilespmem:v26+s14+$0x0], $0xffff  }
0xf5: {  	v5 =	vld.idx.msk [tilespmem:v22+s14+$0x0], $0xffff  }
0xf6: {  	v6 =	vld.idx.msk [tilespmem:v24+s14+$0x0], $0xffff  }
0xf7: {  	v7 =	vld.idx.msk [tilespmem:v21+s14+$0x0], $0xffff  }
0xf8: {  	v8 =	vld.idx.msk [tilespmem:v19+s14+$0x0], $0xffff  }
0xf9: {  	v9 =	vld.idx.msk [tilespmem:v45+s14+$0x0], $0xffff  }
0xfa: {  	v10 =	vmul.f32 v35, v34  }
0xfb: {  	v12 =	vadd.f32 v31, v32;
	v11 =	vmul.f32 v36, v33;
	v13 =	vmul.f32 v27, v28  }
0xfc: {  	v10 =	vadd.f32 v10, v30;
	v0 =	vmul.f32 v1, v0;
	v2 =	vmul.f32 v3, v2  }
0xfd: {  	v11 =	vadd.f32 v11, v29;
	v61 =	vmul.f32 v5, v4;
	v62 =	vmul.f32 v7, v6  }
0xfe: {  	v63 =	vmul.f32 v9, v8;
	v60 =	vadd.f32 v13, v51;
	v0 =	vadd.f32 v0, v12  }
0xff: {  	v2 =	vadd.f32 v2, v10;
	v3 =	vadd.f32 v61, v11  }
0x100: {  	v1 =	vadd.f32 v62, v60;
	v0 =	vadd.f32 v63, v0;
	_ =	sdelay $0x1  }
0x101: {  	v2 =	vadd.f32 v3, v2;
	v0 =	vadd.f32 v0, v1;
	_ =	sdelay $0x1  }
0x102: {  	v0 =	vadd.f32 v0, v2;
	_ =	sdelay $0x1  }
0x103: {  	[tilespmem:s30+$0xFFFFFFF0] =	vst v0  }
0x104: {  	v56 =	vld [tilespmem:$0x1FFD0]  }
0x105: {  	v58 =	vld [tilespmem:$0x1FFE0]  }
0x106: {  	v55 =	vld [tilespmem:$0x1FFF0]  }
0x107: {  	v39 =	vld [tilespmem:$0x1FF30]  }
0x108: {  	v43 =	vld [tilespmem:$0x1FF50]  }
0x109: {  	v62 =	vld [tilespmem:$0x1FFC0]  }
0x10a: {  	v49 =	vld [tilespmem:$0x1FF70]  }
0x10b: {  	s0 =	smul.u32 $0xD000, s25;
	p0 =	seq.s32 s29, $0x0;
	v48 =	vld [tilespmem:$0x1FF80]  }
.Ltmp4:
0x10c: {  	v57 =	vld [tilespmem:$0x1FFB0];
	(pc) =	sbr.rel @p0 .LBB2_9-.Ltmp4, $4  }
0x10d: {  	s31 =	sshll.u32 s26, $0x9;
	s0 =	sshrl.u32 s0, $0x2;
	v52 =	vld [tilespmem:$0x1FF90]  }
0x10e: {  	s31 =	sand.u32 $0x3FFFFE00, s31;
	s0 =	sadd.s32 s0, s1;
	v41 =	vld [tilespmem:$0x1FF40]  }
0x10f: {  	s0 =	sadd.s32 s31, s0;
	v61 =	vld [tilespmem:$0x1FFA0]  }
0x110: {  	v60 =	vlaneseq.u32;
	[spmem:s0] =	stream.linear.scatter [tilespmem:s22], [sflag:$0x3], $0x200, $0x38;
	v45 =	vld [tilespmem:$0x1FF60]  }
.LBB2_6:
0x111: {  	[tilespmem:s2], [sflag:$0x1] =	stream.linear.gather [hbm4b:s28+s2], $0x200, $0x38;
	[tilespmem:$0x11610] =	vst v63  }
0x112: {  	_ =	swait.ge [sflag:s13], $0x200  }
0x113: {  	p0 =	slt.u32 s24, $0x2;
	[sflag:s13] =	ssyncset.done $0x0  }
0x114: {  	s0 =	simm.s32 @!p0 $0x3;
	[sflag:s13] =	ssyncadd.s32 $0xFFFFFE00  }
0x115: {  	_ =	swait.ge @!p0 [sflag:s0], $0x200  }
0x116: {  	[sflag:s0] =	ssyncset.done @!p0 $0x0  }
0x117: {  	s30 =	simm.s32 $0x210;
	[sflag:s0] =	ssyncadd.s32 @!p0 $0xFFFFFE00  }
0x118: {  	v0 =	vld [tilespmem:s30+$0x0];
	_ =	sdelay $0x4  }
0x119: {  	v1 =	vand.u32 $0xFFFF, v0  }
0x11a: {  	v2 =	vshrl.u32 v0, $0x10;
	v3 =	vshll.u32 v1, $0x4  }
0x11b: {  	v4 =	vshll.u32 v2, $0x4;
	v5 =	vor.u32 v52, v3  }
0x11c: {  	v6 =	vor.u32 v52, v4  }
0x11d: {  	v7 =	vor.u32 v41, v3  }
0x11e: {  	v8 =	vor.u32 v41, v4  }
0x11f: {  	v9 =	vld [tilespmem:s30+$0xFFFFFFF0];
	v10 =	vor.u32 v61, v3  }
0x120: {  	v11 =	vor.u32 v61, v4;
	v5 =	vld.idx.msk [tilespmem:v5+s14+$0x0], $0xffff  }
0x121: {  	v12 =	vor.u32 v40, v3;
	v6 =	vld.idx.msk [tilespmem:v6+s14+$0x0], $0xffff  }
0x122: {  	v13 =	vor.u32 v40, v4;
	v7 =	vld.idx.msk [tilespmem:v7+s14+$0x0], $0xffff  }
0x123: {  	v14 =	vor.u32 v49, v3;
	v8 =	vld.idx.msk [tilespmem:v8+s14+$0x0], $0xffff  }
0x124: {  	v15 =	vor.u32 v49, v4;
	v10 =	vld.idx.msk [tilespmem:v10+s14+$0x0], $0xffff  }
0x125: {  	v16 =	vor.u32 v48, v3;
	v11 =	vld.idx.msk [tilespmem:v11+s14+$0x0], $0xffff  }
0x126: {  	v17 =	vor.u32 v48, v4;
	v12 =	vld.idx.msk [tilespmem:v12+s14+$0x0], $0xffff  }
0x127: {  	v18 =	vor.u32 v39, v3;
	v13 =	vld.idx.msk [tilespmem:v13+s14+$0x0], $0xffff  }
0x128: {  	v19 =	vor.u32 v39, v4;
	v14 =	vld.idx.msk [tilespmem:v14+s14+$0x0], $0xffff  }
0x129: {  	v20 =	vor.u32 v44, v3;
	v15 =	vld.idx.msk [tilespmem:v15+s14+$0x0], $0xffff  }
0x12a: {  	v21 =	vor.u32 v44, v4;
	v22 =	vld.idx.msk [tilespmem:v16+s14+$0x0], $0xffff  }
0x12b: {  	v23 =	vor.u32 v43, v4;
	v17 =	vld.idx.msk [tilespmem:v17+s14+$0x0], $0xffff  }
0x12c: {  	v24 =	vor.u32 v62, v3;
	v18 =	vld.idx.msk [tilespmem:v18+s14+$0x0], $0xffff  }
0x12d: {  	v25 =	vor.u32 v60, v3;
	v19 =	vld.idx.msk [tilespmem:v19+s14+$0x0], $0xffff  }
0x12e: {  	v26 =	vor.u32 v60, v4;
	v20 =	vld.idx.msk [tilespmem:v20+s14+$0x0], $0xffff  }
0x12f: {  	v27 =	vor.u32 v56, v3;
	v21 =	vld.idx.msk [tilespmem:v21+s14+$0x0], $0xffff  }
0x130: {  	v16 =	vor.u32 v43, v3;
	v23 =	vld.idx.msk [tilespmem:v23+s14+$0x0], $0xffff  }
0x131: {  	v29 =	vor.u32 v56, v4;
	v24 =	vld.idx.msk [tilespmem:v24+s14+$0x0], $0xffff  }
0x132: {  	v30 =	vor.u32 v58, v3;
	v25 =	vld.idx.msk [tilespmem:v25+s14+$0x0], $0xffff  }
0x133: {  	s31 =	smul.u32 $0x3E8, s26;
	v31 =	vor.u32 v58, v4;
	v26 =	vld.idx.msk [tilespmem:v26+s14+$0x0], $0xffff  }
0x134: {  	v33 =	vor.u32 v55, v3;
	v27 =	vld.idx.msk [tilespmem:v27+s14+$0x0], $0xffff  }
0x135: {  	v34 =	vor.u32 v55, v4;
	v28 =	vld.idx.msk [tilespmem:v16+s14+$0x0], $0xffff;
	v16 =	vmov s31  }
0x136: {  	v0 =	vand.u32 $0x7, v0;
	v36 =	vor.u32 v62, v4;
	v29 =	vld.idx.msk [tilespmem:v29+s14+$0x0], $0xffff;
	[tilespmem:$0x1FDA0] =	vst v16  }
0x137: {  	v35 =	vand.u32 $0xFFFF, v9;
	v37 =	vand.u32 $0x7, v9;
	v38 =	vor.u32 v57, v3;
	v30 =	vld.idx.msk [tilespmem:v30+s14+$0x0], $0xffff  }
0x138: {  	v53 =	vshrl.u32 v9, $0x10;
	vm1 =	veq.s32 v1, v2;
	v51 =	vor.u32 v57, v4;
	v31 =	vld.idx.msk [tilespmem:v31+s14+$0x0], $0xffff  }
0x139: {  	v4 =	vor.u32 v45, v4;
	v3 =	vor.u32 v45, v3;
	v5 =	vmul.f32 v6, v5;
	v50 =	vld.idx.msk [tilespmem:v33+s14+$0x0], $0xffff  }
0x13a: {  	v6 =	vshll.u32 v53, $0x4;
	v25 =	vmul.f32 v26, v25;
	v32 =	vadd.s32 v16, v1;
	v54 =	vld.idx.msk [tilespmem:v34+s14+$0x0], $0xffff  }
0x13b: {  	v47 =	vadd.s32 v16, v35;
	v16 =	vshll.u32 v35, $0x4;
	v26 =	vor.u32 v56, v6;
	v63 =	vld.idx.msk [tilespmem:v36+s14+$0x0], $0xffff  }
0x13c: {  	vm0 =	veq.s32 v35, v53;
	v59 =	vor.u32 v60, v16;
	v34 =	vmul.f32 v19, v18;
	v19 =	vld.idx.msk [tilespmem:v38+s14+$0x0], $0xffff  }
0x13d: {  	v14 =	vmul.f32 v15, v14;
	v15 =	vmul.f32 v21, v20;
	v18 =	vor.u32 v60, v6;
	v21 =	vld.idx.msk [tilespmem:v51+s14+$0x0], $0xffff  }
0x13e: {  	v12 =	vmul.f32 v13, v12;
	v32 =	vand.u32 $0x7FFFFFF8, v32;
	v20 =	vor.u32 v56, v16;
	v3 =	vld.idx.msk [tilespmem:v3+s14+$0x0], $0xffff  }
0x13f: {  	v7 =	vmul.f32 v8, v7;
	v27 =	vmul.f32 v29, v27;
	v4 =	vld.idx.msk [tilespmem:v4+s14+$0x0], $0xffff;
	v0 =	vor.u32 v0, v32  }
0x140: {  	v17 =	vmul.f32 v17, v22;
	v10 =	vmul.f32 v11, v10;
	v35 =	vor.u32 v58, v16;
	v26 =	vld.idx.msk [tilespmem:v26+s14+$0x0], $0xffff  }
0x141: {  	v29 =	vor.u32 v58, v6;
	v22 =	vor.u32 v39, v6;
	v27 =	vadd.f32 $0.0e+00, v27;
	v13 =	vld.idx.msk [tilespmem:v59+s14+$0x0], $0xffff  }
0x142: {  	v36 =	vor.u32 v55, v16;
	v25 =	vadd.f32 $0.0e+00, v25;
	v38 =	vor.u32 v44, v16;
	v18 =	vld.idx.msk [tilespmem:v18+s14+$0x0], $0xffff  }
0x143: {  	v46 =	vor.u32 v43, v16;
	v32 =	vand.u32 $0x7FFFFFF8, v47;
	v15 =	vadd.f32 v15, v27;
	v20 =	vld.idx.msk [tilespmem:v20+s14+$0x0], $0xffff  }
0x144: {  	v51 =	vor.u32 v62, v16;
	v47 =	vor.u32 v43, v6;
	v1 =	vor.u32 v37, v32;
	v0 =	vld.idx.msk [tilespmem:v0+s12+$0x0], $0xffff  }
0x145: {  	v8 =	vadd.f32 v34, v25;
	v23 =	vmul.f32 v23, v28;
	v37 =	vadd.f32 v14, v15;
	v9 =	vld.idx.msk [tilespmem:v35+s14+$0x0], $0xffff  }
0x146: {  	v15 =	vor.u32 v44, v6;
	v28 =	vmul.f32 v31, v30;
	v19 =	vmul.f32 v21, v19;
	v21 =	vld.idx.msk [tilespmem:v29+s14+$0x0], $0xffff  }
0x147: {  	v8 =	vadd.f32 v12, v8;
	v2 =	vmul.f32 v54, v50;
	v30 =	vor.u32 v55, v6;
	v50 =	vld.idx.msk [tilespmem:v22+s14+$0x0], $0xffff  }
0x148: {  	v58 =	vor.u32 v48, v6;
	v25 =	vor.u32 v39, v16;
	v14 =	vld.idx.msk [tilespmem:v38+s14+$0x0], $0xffff;
	v28 =	vadd.f32 $0.0e+00, v28  }
0x149: {  	v3 =	vmul.f32 v4, v3;
	v4 =	vld.idx.msk [tilespmem:v46+s14+$0x0], $0xffff;
	v5 =	vadd.f32 v5, v8;
	v0 =	vnsel vm1, $0x0, v0  }
0x14a: {  	v24 =	vmul.f32 v63, v24;
	v8 =	vld.idx.msk [tilespmem:v47+s14+$0x0], $0xffff;
	v23 =	vadd.f32 v23, v28;
	v0 =	vadd.f32 v2, v0  }
0x14b: {  	v55 =	vor.u32 v40, v16;
	v7 =	vadd.f32 v7, v37;
	v56 =	vld.idx.msk [tilespmem:v15+s14+$0x0], $0xffff;
	v53 =	vmul.f32 v18, v13  }
0x14c: {  	v18 =	vor.u32 v62, v6;
	v42 =	vadd.f32 v17, v23;
	v17 =	vld.idx.msk [tilespmem:v30+s14+$0x0], $0xffff;
	v0 =	vadd.f32 v24, v0  }
0x14d: {  	v22 =	vor.u32 v41, v6;
	v38 =	vor.u32 v61, v6;
	v37 =	vor.u32 v57, v16;
	v2 =	vld.idx.msk [tilespmem:v36+s14+$0x0], $0xffff  }
0x14e: {  	v5 =	vadd.f32 v7, v5;
	v15 =	vor.u32 v40, v6;
	v0 =	vadd.f32 v19, v0;
	v19 =	vld.idx.msk [tilespmem:v25+s14+$0x0], $0xffff  }
0x14f: {  	v1 =	vld.idx.msk [tilespmem:v1+s12+$0x0], $0xffff;
	v54 =	vmul.f32 v26, v20;
	v9 =	vmul.f32 v21, v9;
	v21 =	vor.u32 v49, v16  }
0x150: {  	v26 =	vor.u32 v41, v16;
	v23 =	vor.u32 v52, v6;
	v11 =	vadd.f32 $0.0e+00, v53  }
0x151: {  	v4 =	vmul.f32 v8, v4;
	v62 =	vadd.f32 $0.0e+00, v54;
	v10 =	vadd.f32 v10, v42;
	v59 =	vld.idx.msk [tilespmem:v18+s14+$0x0], $0xffff  }
0x152: {  	v2 =	vmul.f32 v17, v2;
	v17 =	vor.u32 v49, v6;
	v0 =	vadd.f32 v3, v0;
	v3 =	vld.idx.msk [tilespmem:v51+s14+$0x0], $0xffff  }
0x153: {  	v27 =	vld.idx.msk [tilespmem:v58+s14+$0x0], $0xffff;
	v60 =	vmul.f32 v56, v14;
	v12 =	vmul.f32 v50, v19;
	v19 =	vor.u32 v48, v16  }
0x154: {  	v34 =	vld.idx.msk [tilespmem:v55+s14+$0x0], $0xffff;
	v1 =	vnsel vm0, $0x0, v1;
	v63 =	vadd.f32 $0.0e+00, v9;
	v0 =	vadd.f32 v0, v10  }
0x155: {  	v42 =	vor.u32 v57, v6;
	v35 =	vld.idx.msk [tilespmem:v15+s14+$0x0], $0xffff;
	v24 =	vor.u32 v61, v16;
	v29 =	vadd.f32 v60, v62  }
0x156: {  	v33 =	vld.idx.msk [tilespmem:v21+s14+$0x0], $0xffff;
	v25 =	vor.u32 v52, v16;
	v51 =	vadd.f32 v4, v63;
	v0 =	vadd.f32 v0, v5  }
0x157: {  	s28 =	simm.s32 $0xAA20;
	v32 =	vadd.f32 v2, v1;
	v36 =	vld.idx.msk [tilespmem:v17+s14+$0x0], $0xffff;
	v30 =	vadd.f32 v12, v11;
	v31 =	vmul.f32 v59, v3  }
0x158: {  	s29 =	simm.s32 $0x0;
	s0 =	simm.s32 $0x230;
	[tilespmem:s28+$0x0] =	vst v0;
	v28 =	vld.idx.msk [tilespmem:v19+s14+$0x0], $0xffff;
	v19 =	vor.u32 v45, v16;
	v16 =	vor.u32 v45, v6  }
.LBB2_7:
0x159: {  	v53 =	vld [tilespmem:s0+$0x0]  }
0x15a: {  	v0 =	vld [tilespmem:s0+$0xFFFFFFF0]  }
0x15b: {  	v5 =	vld.idx.msk [tilespmem:v23+s14+$0x0], $0xffff  }
0x15c: {  	v7 =	vld.idx.msk [tilespmem:v26+s14+$0x0], $0xffff  }
0x15d: {  	v10 =	vld.idx.msk [tilespmem:v22+s14+$0x0], $0xffff  }
0x15e: {  	v55 =	vld [tilespmem:$0x1FDA0]  }
0x15f: {  	v22 =	vld [tilespmem:$0x1FF40]  }
0x160: {  	v62 =	vld.idx.msk [tilespmem:v38+s14+$0x0], $0xffff  }
0x161: {  	v63 =	vld.idx.msk [tilespmem:v19+s14+$0x0], $0xffff  }
0x162: {  	v46 =	vlaneseq.u32;
	v58 =	vld [tilespmem:$0x1FFD0]  }
0x163: {  	v16 =	vld.idx.msk [tilespmem:v16+s14+$0x0], $0xffff;
	v1 =	vadd.f32 v31, v32;
	v14 =	vmul.f32 v35, v34;
	v34 =	vmul.f32 v36, v33  }
0x164: {  	v59 =	vld [tilespmem:$0x1FFE0];
	v4 =	vmul.f32 v27, v28;
	v41 =	vand.u32 $0xFFFF, v53;
	v6 =	vand.u32 $0xFFFF, v0  }
0x165: {  	v32 =	vld.idx.msk [tilespmem:v37+s14+$0x0], $0xffff;
	v3 =	vshrl.u32 v53, $0x10;
	v8 =	vshrl.u32 v0, $0x10;
	v12 =	vshll.u32 v6, $0x4  }
0x166: {  	v31 =	vld.idx.msk [tilespmem:v25+s14+$0x0], $0xffff;
	[tilespmem:$0x1FC10] =	vst v1;
	v35 =	vadd.f32 v14, v30;
	v15 =	vshll.u32 v8, $0x4;
	v36 =	vor.u32 v46, v12  }
0x167: {  	v30 =	vld.idx.msk [tilespmem:v42+s14+$0x0], $0xffff;
	v56 =	vshll.u32 v41, $0x4;
	v54 =	vshll.u32 v3, $0x4;
	v37 =	vor.u32 v46, v15;
	[tilespmem:$0x1FC20] =	vst v36  }
0x168: {  	v60 =	vld [tilespmem:$0x1FFF0];
	v11 =	vadd.s32 v55, v6;
	v9 =	vor.u32 v52, v56;
	v38 =	vor.u32 v58, v12;
	[tilespmem:$0x1FC30] =	vst v37  }
0x169: {  	v0 =	vand.u32 $0x7, v0;
	v14 =	vld.idx.msk [tilespmem:v24+s14+$0x0], $0xffff;
	v13 =	vor.u32 v52, v54;
	v42 =	vor.u32 v58, v15;
	[tilespmem:$0x1FC40] =	vst v38  }
0x16a: {  	v4 =	vadd.f32 v4, v51;
	v51 =	vld [tilespmem:$0x1FC10];
	v18 =	vor.u32 v22, v56;
	v45 =	vor.u32 v59, v12;
	[tilespmem:$0x1FC50] =	vst v42  }
0x16b: {  	vm0 =	veq.s32 v6, v8;
	v20 =	vor.u32 v22, v54;
	v61 =	vor.u32 v39, v12;
	v38 =	vld [tilespmem:$0x1FFA0];
	[tilespmem:$0x1FC60] =	vst v45  }
0x16c: {  	v5 =	vmul.f32 v5, v31;
	v47 =	vor.u32 v59, v15;
	v21 =	vor.u32 v40, v54;
	[tilespmem:$0x1FCC0] =	vst v61;
	v61 =	vld [tilespmem:$0x1FFC0]  }
0x16d: {  	v11 =	vand.u32 $0x7FFFFFF8, v11;
	v50 =	vor.u32 v60, v12;
	v6 =	vor.u32 v46, v54;
	[tilespmem:$0x1FC80] =	vst v47;
	v33 =	vld.idx.msk [tilespmem:v9+s14+$0x0], $0xffff  }
0x16e: {  	v31 =	vor.u32 v58, v54;
	[tilespmem:$0x1FC90] =	vst v50;
	v0 =	vor.u32 v0, v11;
	v13 =	vld.idx.msk [tilespmem:v13+s14+$0x0], $0xffff  }
0x16f: {  	v57 =	vor.u32 v60, v15;
	[tilespmem:$0x1FCB0] =	vst v0;
	v0 =	vor.u32 v49, v56;
	v28 =	vld.idx.msk [tilespmem:v18+s14+$0x0], $0xffff  }
0x170: {  	[tilespmem:$0x1FCA0] =	vst v57;
	v11 =	vld.idx.msk [tilespmem:v20+s14+$0x0], $0xffff  }
0x171: {  	v36 =	vor.u32 v39, v15;
	v37 =	vor.u32 v44, v12;
	v1 =	vld.idx.msk [tilespmem:v21+s14+$0x0], $0xffff;
	v19 =	vor.u32 v38, v56  }
0x172: {  	v47 =	vor.u32 v43, v12;
	[tilespmem:$0x1FCD0] =	vst v36;
	v18 =	vor.u32 v49, v54;
	v6 =	vld.idx.msk [tilespmem:v6+s14+$0x0], $0xffff  }
0x173: {  	[tilespmem:$0x1FD00] =	vst v47;
	v47 =	vor.u32 v48, v12;
	v31 =	vld.idx.msk [tilespmem:v31+s14+$0x0], $0xffff;
	v9 =	vor.u32 v38, v54  }
0x174: {  	v17 =	vor.u32 v40, v56;
	[tilespmem:$0x1FCE0] =	vst v37;
	v57 =	vor.u32 v61, v12;
	v0 =	vld.idx.msk [tilespmem:v0+s14+$0x0], $0xffff  }
0x175: {  	v7 =	vmul.f32 v10, v7;
	v24 =	vor.u32 v39, v56;
	v20 =	vor.u32 v39, v54;
	[tilespmem:$0x1FD20] =	vst v57;
	v57 =	vld [tilespmem:$0x1FFB0]  }
0x176: {  	v50 =	vor.u32 v43, v15;
	[tilespmem:$0x1FD80] =	vst v47;
	v47 =	vmov v39;
	v39 =	vor.u32 v44, v54;
	v45 =	vld.idx.msk [tilespmem:v19+s14+$0x0], $0xffff  }
0x177: {  	v42 =	vor.u32 v44, v15;
	[tilespmem:$0x1FD10] =	vst v50;
	v50 =	vor.u32 v48, v15;
	v18 =	vld.idx.msk [tilespmem:v18+s14+$0x0], $0xffff  }
0x178: {  	[tilespmem:$0x1FCF0] =	vst v42;
	v19 =	vor.u32 v48, v56;
	v36 =	vld.idx.msk [tilespmem:v9+s14+$0x0], $0xffff;
	v9 =	vor.u32 v61, v15  }
0x179: {  	v37 =	vor.u32 v40, v12;
	[tilespmem:$0x1FD30] =	vst v9;
	v9 =	vld.idx.msk [tilespmem:v17+s14+$0x0], $0xffff;
	v17 =	vor.u32 v48, v54  }
0x17a: {  	v42 =	vor.u32 v40, v15;
	v40 =	vor.u32 v43, v56;
	[tilespmem:$0x1FD90] =	vst v50;
	v50 =	vmov v48;
	v20 =	vld.idx.msk [tilespmem:v20+s14+$0x0], $0xffff  }
0x17b: {  	v8 =	vld.idx.msk [tilespmem:v39+s14+$0x0], $0xffff;
	v48 =	vmov v43;
	v43 =	vor.u32 v43, v54;
	[tilespmem:$0x1FC70] =	vst v45;
	v45 =	vor.u32 v49, v15  }
0x17c: {  	v16 =	vmul.f32 v16, v63;
	v34 =	vadd.f32 v34, v29;
	v21 =	vor.u32 v44, v56;
	[tilespmem:$0x1FD70] =	vst v45;
	v45 =	vld [tilespmem:$0x1FF60]  }
0x17d: {  	v2 =	vor.u32 v49, v12;
	v25 =	vor.u32 v52, v12;
	v23 =	vor.u32 v52, v15;
	v27 =	vld.idx.msk [tilespmem:v19+s14+$0x0], $0xffff  }
0x17e: {  	v26 =	vor.u32 v22, v12;
	[tilespmem:$0x1FD60] =	vst v2;
	v44 =	vor.u32 v61, v56;
	v2 =	vld.idx.msk [tilespmem:v17+s14+$0x0], $0xffff  }
0x17f: {  	v22 =	vor.u32 v22, v15;
	v5 =	vadd.f32 v5, v35;
	v7 =	vadd.f32 v7, v34;
	v17 =	vld.idx.msk [tilespmem:v24+s14+$0x0], $0xffff  }
0x180: {  	[tilespmem:$0x1FD50] =	vst v42;
	v14 =	vmul.f32 v62, v14;
	v42 =	vor.u32 v57, v15;
	v39 =	vld.idx.msk [tilespmem:v43+s14+$0x0], $0xffff  }
0x181: {  	v24 =	vor.u32 v38, v12;
	v38 =	vor.u32 v38, v15;
	v29 =	vor.u32 v45, v15;
	v15 =	vld.idx.msk [tilespmem:v21+s14+$0x0], $0xffff  }
0x182: {  	v34 =	vand.u32 $0x7, v53;
	v35 =	vor.u32 v60, v54;
	[tilespmem:$0x1FD40] =	vst v37;
	v21 =	vmul.f32 v30, v32;
	v32 =	vld.idx.msk [tilespmem:v40+s14+$0x0], $0xffff  }
0x183: {  	v62 =	vor.u32 v60, v56;
	v4 =	vadd.f32 v14, v4;
	v37 =	vor.u32 v57, v12;
	v40 =	vld.idx.msk [tilespmem:v44+s14+$0x0], $0xffff  }
0x184: {  	v43 =	vor.u32 v59, v54;
	v19 =	vor.u32 v45, v12;
	v12 =	vor.u32 v46, v56;
	v44 =	vld [tilespmem:$0x1FF10]  }
0x185: {  	v30 =	vor.u32 v58, v56;
	v58 =	vor.u32 v59, v56;
	v59 =	vadd.s32 v55, v41;
	v46 =	vld [tilespmem:$0x1FCD0]  }
0x186: {  	v60 =	vor.u32 v57, v54;
	v63 =	vand.u32 $0x7FFFFFF8, v59;
	v59 =	vor.u32 v57, v56;
	v57 =	vld [tilespmem:$0x1FC30]  }
0x187: {  	v21 =	vadd.f32 v21, v51;
	v14 =	vor.u32 v34, v63;
	v34 =	vmul.f32 v11, v28;
	v11 =	vld [tilespmem:$0x1FC80]  }
0x188: {  	v51 =	vld [tilespmem:$0x1FD00]  }
0x189: {  	v16 =	vadd.f32 v16, v21;
	v21 =	vld.idx.msk [tilespmem:v43+s14+$0x0], $0xffff  }
0x18a: {  	v43 =	vmov v48;
	v48 =	vmov v50;
	v50 =	vld [tilespmem:$0x1FCF0]  }
0x18b: {  	v12 =	vld.idx.msk [tilespmem:v12+s14+$0x0], $0xffff  }
0x18c: {  	v30 =	vld.idx.msk [tilespmem:v30+s14+$0x0], $0xffff  }
0x18d: {  	v5 =	vadd.f32 v7, v5;
	v7 =	vld.idx.msk [tilespmem:v58+s14+$0x0], $0xffff  }
0x18e: {  	v58 =	vor.u32 v61, v54;
	v61 =	vld.idx.msk [tilespmem:v35+s14+$0x0], $0xffff  }
0x18f: {  	v35 =	vmul.f32 v20, v17;
	v17 =	vld.idx.msk [tilespmem:v60+s14+$0x0], $0xffff  }
0x190: {  	v13 =	vmul.f32 v13, v33;
	v60 =	vld [tilespmem:$0x1FC50]  }
0x191: {  	v33 =	vor.u32 v45, v54;
	v8 =	vmul.f32 v8, v15;
	v15 =	vmul.f32 v39, v32;
	v39 =	vmovc v47;
	v47 =	vld [tilespmem:$0x1FCE0]  }
0x192: {  	v4 =	vadd.f32 v16, v4;
	v16 =	vld.idx.msk [tilespmem:v62+s14+$0x0], $0xffff  }
0x193: {  	v54 =	vld.idx.msk [tilespmem:v59+s14+$0x0], $0xffff  }
0x194: {  	v62 =	vor.u32 v45, v56;
	v56 =	vld [tilespmem:$0x1FC20]  }
0x195: {  	v63 =	vld.idx.msk [tilespmem:v14+s12+$0x0], $0xffff  }
0x196: {  	v14 =	vld.idx.msk [tilespmem:v33+s14+$0x0], $0xffff  }
0x197: {  	v33 =	vld [tilespmem:$0x1FCA0]  }
0x198: {  	v4 =	vadd.f32 v4, v5;
	v10 =	vld.idx.msk [tilespmem:v58+s14+$0x0], $0xffff  }
0x199: {  	v58 =	vld [tilespmem:$0x1FC40]  }
0x19a: {  	v0 =	vmul.f32 v18, v0;
	[tilespmem:s28+$0xFFFFFFF0] =	vst v4;
	v18 =	vld.idx.msk [tilespmem:v62+s14+$0x0], $0xffff  }
0x19b: {  	v7 =	vmul.f32 v21, v7;
	v21 =	vld.idx.msk [tilespmem:v57+s14+$0x0], $0xffff  }
0x19c: {  	v62 =	vld [tilespmem:$0x1FC60]  }
0x19d: {  	v16 =	vmul.f32 v61, v16;
	v61 =	vmul.f32 v17, v54;
	v54 =	vld [tilespmem:$0x1FD10]  }
0x19e: {  	vm1 =	veq.s32 v41, v3;
	v55 =	vmul.f32 v31, v30;
	v57 =	vld [tilespmem:$0x1FD40]  }
0x19f: {  	v5 =	vnsel vm1, $0x0, v63;
	v63 =	vld [tilespmem:$0x1FC70]  }
0x1a0: {  	v6 =	vmul.f32 v6, v12;
	v12 =	vadd.f32 $0.0e+00, v55;
	v55 =	vld [tilespmem:$0x1FD20]  }
0x1a1: {  	v3 =	vld.idx.msk [tilespmem:v60+s14+$0x0], $0xffff  }
0x1a2: {  	v1 =	vmul.f32 v1, v9;
	v6 =	vadd.f32 $0.0e+00, v6;
	v9 =	vld.idx.msk [tilespmem:v47+s14+$0x0], $0xffff  }
0x1a3: {  	v20 =	vld.idx.msk [tilespmem:v56+s14+$0x0], $0xffff  }
0x1a4: {  	v4 =	vadd.f32 v35, v6;
	v6 =	vld.idx.msk [tilespmem:v11+s14+$0x0], $0xffff  }
0x1a5: {  	v35 =	vld [tilespmem:$0x1FCB0]  }
0x1a6: {  	v56 =	vld [tilespmem:$0x1FD30]  }
0x1a7: {  	v10 =	vmul.f32 v10, v40;
	v40 =	vld [tilespmem:$0x1FF20]  }
0x1a8: {  	v59 =	vadd.f32 v8, v12;
	v11 =	vld.idx.msk [tilespmem:v33+s14+$0x0], $0xffff  }
0x1a9: {  	v12 =	vmul.f32 v14, v18;
	v14 =	vld [tilespmem:$0x1FC90]  }
0x1aa: {  	v7 =	vadd.f32 $0.0e+00, v7;
	v0 =	vadd.f32 v0, v59;
	v59 =	vld [tilespmem:$0x1FD60]  }
0x1ab: {  	v1 =	vadd.f32 v1, v4;
	v4 =	vmul.f32 v36, v63;
	v36 =	vld [tilespmem:$0x1FCC0]  }
0x1ac: {  	v2 =	vmul.f32 v2, v27;
	v7 =	vadd.f32 v15, v7;
	v63 =	vld [tilespmem:$0x1FD90]  }
0x1ad: {  	v5 =	vadd.f32 v16, v5;
	v16 =	vld.idx.msk [tilespmem:v58+s14+$0x0], $0xffff  }
0x1ae: {  	v2 =	vadd.f32 v2, v7;
	v58 =	vld [tilespmem:$0x1FD50]  }
0x1af: {  	v5 =	vadd.f32 v10, v5;
	v10 =	vld.idx.msk [tilespmem:v62+s14+$0x0], $0xffff  }
0x1b0: {  	v1 =	vadd.f32 v13, v1;
	v2 =	vadd.f32 v4, v2;
	v4 =	vld.idx.msk [tilespmem:v46+s14+$0x0], $0xffff  }
0x1b1: {  	v0 =	vadd.f32 v34, v0;
	v5 =	vadd.f32 v61, v5;
	v61 =	vld [tilespmem:$0x1FD70]  }
0x1b2: {  	v62 =	vld [tilespmem:$0x1FD80]  }
0x1b3: {  	v0 =	vadd.f32 v0, v1;
	v1 =	vld.idx.msk [tilespmem:v50+s14+$0x0], $0xffff;
	v34 =	vadd.f32 v12, v5  }
0x1b4: {  	v5 =	vld.idx.msk [tilespmem:v35+s12+$0x0], $0xffff  }
0x1b5: {  	v41 =	vadd.f32 v34, v2;
	v34 =	vld.idx.msk [tilespmem:v57+s14+$0x0], $0xffff  }
0x1b6: {  	v7 =	vld.idx.msk [tilespmem:v36+s14+$0x0], $0xffff  }
0x1b7: {  	v8 =	vld.idx.msk [tilespmem:v14+s14+$0x0], $0xffff  }
0x1b8: {  	v6 =	vmul.f32 v6, v10;
	v10 =	vld.idx.msk [tilespmem:v51+s14+$0x0], $0xffff;
	v0 =	vadd.f32 v41, v0  }
0x1b9: {  	s28 =	sadd.s32 $0x20, s28;
	v53 =	vnsel vm0, $0x0, v5;
	v5 =	vld.idx.msk [tilespmem:v54+s14+$0x0], $0xffff  }
0x1ba: {  	s29 =	sadd.s32 $0x2, s29;
	[tilespmem:s28+$0x0] =	vst v0;
	v0 =	vld.idx.msk [tilespmem:v55+s14+$0x0], $0xffff  }
0x1bb: {  	p0 =	slt.u32 s29, $0x1E;
	v3 =	vmul.f32 v3, v16;
	v4 =	vmul.f32 v4, v7;
	v7 =	vld.idx.msk [tilespmem:v56+s14+$0x0], $0xffff  }
.Ltmp5:
0x1bc: {  	v32 =	vmul.f32 v21, v20;
	v33 =	vld.idx.msk [tilespmem:v59+s14+$0x0], $0xffff;
	(pc) =	sbr.rel @p0 .LBB2_7-.Ltmp5, $4  }
0x1bd: {  	v3 =	vadd.f32 $0.0e+00, v3;
	v1 =	vmul.f32 v1, v9;
	v27 =	vld.idx.msk [tilespmem:v63+s14+$0x0], $0xffff;
	v8 =	vmul.f32 v11, v8  }
0x1be: {  	v45 =	vadd.f32 $0.0e+00, v32;
	v6 =	vadd.f32 $0.0e+00, v6;
	v35 =	vld.idx.msk [tilespmem:v58+s14+$0x0], $0xffff;
	v60 =	vmul.f32 v5, v10  }
0x1bf: {  	v16 =	vmov v29;
	v29 =	vadd.f32 v1, v3;
	v36 =	vld.idx.msk [tilespmem:v61+s14+$0x0], $0xffff;
	v32 =	vadd.f32 v8, v53  }
0x1c0: {  	s0 =	sadd.s32 $0x20, s0;
	v28 =	vld.idx.msk [tilespmem:v62+s14+$0x0], $0xffff;
	v30 =	vadd.f32 v4, v45;
	v51 =	vadd.f32 v60, v6;
	v31 =	vmul.f32 v7, v0  }
0x1c1: {  	_ =	sdelay $0x3  }
0x1c2: {  	v0 =	vld.idx.msk [tilespmem:v37+s14+$0x0], $0xffff  }
0x1c3: {  	v1 =	vld.idx.msk [tilespmem:v42+s14+$0x0], $0xffff  }
0x1c4: {  	v2 =	vld.idx.msk [tilespmem:v25+s14+$0x0], $0xffff  }
0x1c5: {  	v3 =	vld.idx.msk [tilespmem:v23+s14+$0x0], $0xffff  }
0x1c6: {  	v4 =	vld.idx.msk [tilespmem:v26+s14+$0x0], $0xffff  }
0x1c7: {  	v5 =	vld.idx.msk [tilespmem:v22+s14+$0x0], $0xffff  }
0x1c8: {  	v6 =	vld.idx.msk [tilespmem:v24+s14+$0x0], $0xffff  }
0x1c9: {  	v7 =	vld.idx.msk [tilespmem:v38+s14+$0x0], $0xffff  }
0x1ca: {  	v8 =	vld.idx.msk [tilespmem:v19+s14+$0x0], $0xffff  }
0x1cb: {  	v9 =	vld.idx.msk [tilespmem:v16+s14+$0x0], $0xffff  }
0x1cc: {  	v10 =	vmul.f32 v35, v34  }
0x1cd: {  	v12 =	vadd.f32 v31, v32;
	v11 =	vmul.f32 v36, v33;
	v13 =	vmul.f32 v27, v28  }
0x1ce: {  	v10 =	vadd.f32 v10, v30;
	v0 =	vmul.f32 v1, v0;
	v2 =	vmul.f32 v3, v2  }
0x1cf: {  	v11 =	vadd.f32 v11, v29;
	v61 =	vmul.f32 v5, v4;
	v62 =	vmul.f32 v7, v6  }
0x1d0: {  	v63 =	vmul.f32 v9, v8;
	v60 =	vadd.f32 v13, v51;
	v0 =	vadd.f32 v0, v12  }
0x1d1: {  	v2 =	vadd.f32 v2, v10;
	v3 =	vadd.f32 v61, v11  }
0x1d2: {  	v1 =	vadd.f32 v62, v60;
	v0 =	vadd.f32 v63, v0;
	_ =	sdelay $0x1  }
0x1d3: {  	v2 =	vadd.f32 v3, v2;
	v0 =	vadd.f32 v0, v1;
	_ =	sdelay $0x1  }
0x1d4: {  	v0 =	vadd.f32 v0, v2;
	_ =	sdelay $0x1  }
0x1d5: {  	[tilespmem:s28+$0xFFFFFFF0] =	vst v0  }
0x1d6: {  	v56 =	vld [tilespmem:$0x1FFD0]  }
0x1d7: {  	v58 =	vld [tilespmem:$0x1FFE0]  }
0x1d8: {  	s0 =	smul.u32 $0xD000, s25;
	v55 =	vld [tilespmem:$0x1FFF0]  }
.Ltmp6:
0x1d9: {  	v62 =	vld [tilespmem:$0x1FFC0];
	(pc) =	sbr.rel .LBB2_9-.Ltmp6, $4  }
0x1da: {  	s31 =	sshll.u32 s26, $0x9;
	s0 =	sshrl.u32 s0, $0x2;
	v57 =	vld [tilespmem:$0x1FFB0]  }
0x1db: {  	s25 =	sand.u32 $0x3FFFFE00, s31;
	s0 =	sadd.s32 s0, s1;
	v41 =	vld [tilespmem:$0x1FF40]  }
0x1dc: {  	s0 =	sadd.s32 s25, s0;
	v61 =	vld [tilespmem:$0x1FFA0]  }
0x1dd: {  	v60 =	vlaneseq.u32;
	[spmem:s0] =	stream.linear.scatter [tilespmem:s16], [sflag:$0x3], $0x200, $0x38;
	v45 =	vld [tilespmem:$0x1FF60]  }
.LBB2_10:
0x1de: {  	_ =	swait.ge [sflag:s17], $0x200  }
0x1df: {  	[sflag:s17] =	ssyncset.done $0x0  }
0x1e0: {  	[sflag:s17] =	ssyncadd.s32 $0xFFFFFE00  }
0x1e1: {  	_ =	swait.ge [sflag:s18], $0x200  }
0x1e2: {  	[sflag:s18] =	ssyncset.done $0x0  }
0x1e3: {  	[sflag:s18] =	ssyncadd.s32 $0xFFFFFE00  }
0x1e4: {  	_ =	swait.ge [sflag:s18], $0x200  }
0x1e5: {  	[sflag:s18] =	ssyncset.done $0x0  }
0x1e6: {  	[sflag:s18] =	ssyncadd.s32 $0xFFFFFE00  }
0x1e7: {  	[bflag:$0x0] =	sbarrier.arrive $0xFFFF  }
0x1e8: {  	[tilespmem:s19], [sflag:$0x4] =	stream.linear.gather [spmem:s9], $0x3400, $0x38;
	[tilespmem:$0x11610] =	vst v63  }
0x1e9: {  	_ =	swait.ge [sflag:s15], $0x3400  }
0x1ea: {  	[sflag:s15] =	ssyncset.done $0x0  }
0x1eb: {  	s0 =	simm.s32 $0x0;
	[sflag:s15] =	ssyncadd.s32 $0xFFFFCC00  }
0x1ec: {  	v16 =	vld [tilespmem:s0+$0xD810]  }
0x1ed: {  	v18 =	vld [tilespmem:s0+$0xDA10]  }
0x1ee: {  	v17 =	vld [tilespmem:s0+$0xD010]  }
0x1ef: {  	v19 =	vld [tilespmem:s0+$0xD210]  }
0x1f0: {  	v20 =	vld [tilespmem:s0+$0xC810]  }
0x1f1: {  	v21 =	vld [tilespmem:s0+$0xCA10]  }
0x1f2: {  	v22 =	vld [tilespmem:s0+$0xC010]  }
0x1f3: {  	v23 =	vld [tilespmem:s0+$0xC210]  }
0x1f4: {  	v24 =	vld [tilespmem:s0+$0xB010]  }
0x1f5: {  	v25 =	vld [tilespmem:s0+$0xB210]  }
0x1f6: {  	v26 =	vld [tilespmem:s0+$0xB810]  }
0x1f7: {  	v27 =	vld [tilespmem:s0+$0xBA10]  }
0x1f8: {  	v28 =	vld [tilespmem:s0+$0xAC10]  }
0x1f9: {  	v29 =	vld [tilespmem:s0+$0xAE10]  }
0x1fa: {  	s24 =	simm.s32 $0x40;
	v30 =	vld [tilespmem:s0+$0xB410]  }
.LBB2_11:
0x1fb: {  	p0 =	sne.s32 s24, $0x7C0;
	v0 =	vld [tilespmem:s0+$0xB610]  }
0x1fc: {  	v1 =	vld [tilespmem:s0+$0xBC10]  }
0x1fd: {  	v2 =	vld [tilespmem:s0+$0xBE10]  }
0x1fe: {  	v3 =	vld [tilespmem:s0+$0xC410]  }
0x1ff: {  	v4 =	vld [tilespmem:s0+$0xC610]  }
0x200: {  	v5 =	vadd.f32 v30, v28;
	v0 =	vadd.f32 v0, v29;
	v6 =	vld [tilespmem:s0+$0xCC10]  }
0x201: {  	v7 =	vadd.f32 v26, v24;
	v8 =	vadd.f32 v27, v25;
	v9 =	vld [tilespmem:s0+$0xCE10]  }
0x202: {  	v1 =	vadd.f32 v1, v5;
	v0 =	vadd.f32 v2, v0;
	v2 =	vld [tilespmem:s0+$0xD410]  }
0x203: {  	v5 =	vadd.f32 v22, v7;
	v7 =	vadd.f32 v23, v8;
	v8 =	vld [tilespmem:s0+$0xD610]  }
0x204: {  	v1 =	vadd.f32 v3, v1;
	v0 =	vadd.f32 v4, v0;
	v3 =	vld [tilespmem:s0+$0xDC10]  }
0x205: {  	s25 =	sshra.s32 s24, $0x2;
	v4 =	vadd.f32 v20, v5;
	v5 =	vadd.f32 v21, v7;
	v7 =	vld [tilespmem:s0+$0xDE10]  }
0x206: {  	v1 =	vadd.f32 v6, v1;
	v10 =	vld [tilespmem:s25+$0xD810];
	v0 =	vadd.f32 v9, v0  }
0x207: {  	v4 =	vadd.f32 v17, v4;
	v5 =	vadd.f32 v19, v5;
	v6 =	vld [tilespmem:s25+$0xDA10]  }
0x208: {  	v1 =	vadd.f32 v2, v1;
	v17 =	vld [tilespmem:s25+$0xD010];
	v0 =	vadd.f32 v8, v0  }
0x209: {  	v2 =	vadd.f32 v16, v4;
	v4 =	vadd.f32 v18, v5;
	v19 =	vld [tilespmem:s25+$0xD210]  }
0x20a: {  	v1 =	vadd.f32 v3, v1;
	v20 =	vld [tilespmem:s25+$0xC810];
	v0 =	vadd.f32 v7, v0  }
0x20b: {  	v21 =	vld [tilespmem:s25+$0xCA10];
	v16 =	vmov v10  }
0x20c: {  	v22 =	vld [tilespmem:s25+$0xC010];
	v0 =	vadd.f32 v0, v1;
	v1 =	vadd.f32 v4, v2;
	v18 =	vmov v6  }
0x20d: {  	v23 =	vld [tilespmem:s25+$0xC210]  }
0x20e: {  	v24 =	vld [tilespmem:s25+$0xB010];
	v0 =	vadd.f32 v0, v1  }
0x20f: {  	v25 =	vld [tilespmem:s25+$0xB210]  }
.Ltmp7:
0x210: {  	v26 =	vld [tilespmem:s25+$0xB810];
	[tilespmem:s0+$0xE010] =	vst v0;
	s0 =	smov.u32 s25;
	(pc) =	sbr.rel @p0 .LBB2_11-.Ltmp7, $4  }
0x211: {  	v27 =	vld [tilespmem:s0+$0xBA10]  }
0x212: {  	v28 =	vld [tilespmem:s0+$0xAC10]  }
0x213: {  	v29 =	vld [tilespmem:s0+$0xAE10]  }
0x214: {  	s24 =	sadd.s32 $0x40, s24;
	v30 =	vld [tilespmem:s0+$0xB410]  }
0x215: {  	v0 =	vld [tilespmem:s0+$0xB610]  }
0x216: {  	v1 =	vld [tilespmem:s0+$0xBC10]  }
0x217: {  	v2 =	vld [tilespmem:s0+$0xBE10]  }
0x218: {  	v3 =	vld [tilespmem:s0+$0xC410]  }
0x219: {  	v4 =	vld [tilespmem:s0+$0xC610]  }
0x21a: {  	v6 =	vld [tilespmem:s0+$0xCC10];
	v5 =	vadd.f32 v30, v28;
	v0 =	vadd.f32 v0, v29  }
0x21b: {  	v7 =	vadd.f32 v26, v24;
	v9 =	vld [tilespmem:s0+$0xCE10];
	v8 =	vadd.f32 v27, v25  }
0x21c: {  	v37 =	vld [tilespmem:s0+$0xD410];
	v1 =	vadd.f32 v1, v5;
	v0 =	vadd.f32 v2, v0  }
0x21d: {  	v46 =	vld [tilespmem:s0+$0xD610];
	v38 =	vadd.f32 v22, v7;
	v42 =	vadd.f32 v23, v8  }
0x21e: {  	v47 =	vld [tilespmem:s0+$0xDC10];
	v1 =	vadd.f32 v3, v1;
	v0 =	vadd.f32 v4, v0  }
0x21f: {  	v53 =	vld [tilespmem:s0+$0xDE10];
	v50 =	vadd.f32 v20, v38;
	v51 =	vadd.f32 v21, v42  }
0x220: {  	v1 =	vadd.f32 v6, v1;
	v0 =	vadd.f32 v9, v0  }
0x221: {  	v5 =	vadd.f32 v19, v51;
	v4 =	vadd.f32 v17, v50  }
0x222: {  	v1 =	vadd.f32 v37, v1;
	v0 =	vadd.f32 v46, v0  }
0x223: {  	v59 =	vadd.f32 v18, v5;
	v54 =	vadd.f32 v16, v4  }
0x224: {  	v1 =	vadd.f32 v47, v1;
	v0 =	vadd.f32 v53, v0;
	_ =	sdelay $0x1  }
0x225: {  	v63 =	vadd.f32 v59, v54;
	v0 =	vadd.f32 v0, v1;
	_ =	sdelay $0x1  }
0x226: {  	s23 =	sadd.s32 $0x1, s23;
	v0 =	vadd.f32 v0, v63  }
0x227: {  	p0 =	sne.s32 s23, s11  }
.Ltmp8:
0x228: {  	[tilespmem:s0+$0xE010] =	vst v0;
	(pc) =	sbr.rel @p0 .LBB2_1-.Ltmp8, $4  }
0x229: {  	[hbm4b:s10+s2] =	stream.linear.scatter [tilespmem:s20], [sflag:$0x4], $0x200, $0x38;
	[tilespmem:$0x11610] =	vst v63  }
0x22a: {  	_ =	swait.ge [sflag:s15], $0x200  }
0x22b: {  	[sflag:s15] =	ssyncset.done $0x0  }
0x22c: {  	[sflag:s15] =	ssyncadd.s32 $0xFFFFFE00  }
0x22d: {  	_ =	sfence.sel $0x180000  }
0x22e: {  	[bflag:$0x0] =	sbarrier.arrive $0xFFFF  }
0x22f: {  	_ =	strace $0x90000047  }
0x230: {  	[bflag:$0x2] =	sbarrier.arrive $0xFFFF  }
0x231: {  	p0 =	sne.s32 s3, $0x0;
	s0 =	rddreg [dreg:$0x3]  }
0x232: {  	s0 =	sadd.s32 @!p0 $0x100000, s0  }
0x233: {  	[sflag:s0] =	ssyncadd.tile.s32 @!p0 $0x1;
	_ =	shalt  }
.Lfunc_end2:
_tile_overlayer_lowered:
.L_overlay_start_2:
0x234: {  	(tag) =	ssettag $0x2  }
0x235: {  	s0 =	rddreg [dreg:$0x0];
	s2 =	stileid.u32  }
0x236: {  	s1 =	rddreg [dreg:$0x1];
	p0 =	sne.s32 s2, $0x0  }
0x237: {  	s3 =	rddreg [dreg:$0x2];
	[bflag:$0x3] =	sbarrier.arrive $0xFFFF;
	s2 =	simm.s32 @!p0 $0x1C04  }
0x238: {  	[timem:s3], [sflag:s2] =	dma.local @!p0 [hbm:s0], s1  }
0x239: {  	s0 =	simm.s32 @!p0 $0x4  }
0x23a: {  	_ =	swait.ge @!p0 [sflag:s0], s1  }
0x23b: {  	s1 =	ssub.s32 @!p0 $0x0, s1;
	[sflag:s0] =	ssyncset.done @!p0 $0x0  }
0x23c: {  	[sflag:s0] =	ssyncadd.s32 @!p0 s1  }
0x23d: {  	[bflag:$0x3] =	sbarrier.arrive $0xFFFF  }
0x23e: {  	_ =	shalt  }

</sc_bundles>
